<compile_context>
chip_gen: v7x
topology: tpu7x:2x2x1
jax: 0.10.2.dev20260603
libtpu: 0.0.44.dev20260713+nightly
codegen_flags: <defaults>
</compile_context>

<pallas_src>
import jax
import jax.numpy as jnp
from jax.experimental import pallas as pl
from jax.experimental.pallas import tpu as pltpu
from jax.experimental.pallas import tpu_sc as plsc

N = 20000
C = 81
TILE = 2000
NPAD = 20480
ROWS = 160
LANES = 128
MAXDET = 100
STD = (0.1, 0.1, 0.2, 0.2)
MIN_CONF = 0.7
NMS_THRESH = 0.3

TROWS = N * C * 4 // LANES
SC_NC = 2
SC_NS = 16
SC_NW = SC_NC * SC_NS
GB = NPAD // SC_NW
GROWS = GB // LANES
ETILE = 2048


def _stage_a_body(probs_ref, out_ref):
    t = pl.program_id(0)
    p = probs_ref[...]
    m = jnp.max(p, axis=1, keepdims=True)
    li = jax.lax.broadcasted_iota(jnp.int32, (TILE, C), 1)
    idx = jnp.min(jnp.where(p == m, li, C), axis=1, keepdims=True)
    row = t * TILE + jax.lax.broadcasted_iota(jnp.int32, (TILE, 1), 0)
    flat = C * row + idx
    cf = idx.astype(jnp.float32)
    trow = (flat // 32).astype(jnp.float32)
    tgrp = (flat - 32 * (flat // 32)).astype(jnp.float32)
    out_ref[...] = jnp.concatenate(
        [m, cf, trow, tgrp, m, m, m, m], axis=1)


def _gather_body(table_hbm, idx_hbm, out_hbm, idx_v, rows_v, sem):
    wid = jax.lax.axis_index("s") * SC_NC + jax.lax.axis_index("c")
    pltpu.sync_copy(idx_hbm.at[wid], idx_v)
    copies = []
    for k in range(GROWS):
        copies.append(pltpu.async_copy(
            table_hbm.at[idx_v.at[k]],
            rows_v.at[pl.ds(k * LANES, LANES)], sem))
    for cp in copies:
        cp.wait()
    pltpu.sync_copy(rows_v, out_hbm.at[pl.ds(wid * GB, GB)])


def _extract_body(g_ref, grp_ref, out_ref):
    g = g_ref[...]
    grp = grp_ref[...]
    lane = jax.lax.broadcasted_iota(jnp.int32, (ETILE, LANES), 1)
    s = jnp.where(lane // 4 == grp, g, 0.0)
    for sh in (4, 8, 16, 32, 64):
        s = s + jnp.roll(s, -sh, axis=1)
    out_ref[...] = s[:, 0:8]


def _nms_body(m_ref, cf_ref, d0_ref, d1_ref, d2_ref, d3_ref,
              ry1_ref, rx1_ref, ry2_ref, rx2_ref, win_ref,
              oy1_ref, ox1_ref, oy2_ref, ox2_ref, ocl_ref, osc_ref,
              ny1_s, nx1_s, ny2_s, nx2_s):
    cf = cf_ref[...]
    m = m_ref[...]
    h = ry2_ref[...] - ry1_ref[...]
    w = rx2_ref[...] - rx1_ref[...]
    cy = ry1_ref[...] + 0.5 * h + (d0_ref[...] * STD[0]) * h
    cx = rx1_ref[...] + 0.5 * w + (d1_ref[...] * STD[1]) * w
    h = h * jnp.exp(d2_ref[...] * STD[2])
    w = w * jnp.exp(d3_ref[...] * STD[3])
    y1 = cy - 0.5 * h
    x1 = cx - 0.5 * w
    y2 = y1 + h
    x2 = x1 + w
    wy1 = win_ref[0, 0]
    wx1 = win_ref[0, 1]
    wy2 = win_ref[0, 2]
    wx2 = win_ref[0, 3]
    off = 4.0 * cf
    ny1 = jnp.clip(y1, wy1, wy2) + off
    nx1 = jnp.clip(x1, wx1, wx2) + off
    ny2 = jnp.clip(y2, wy1, wy2) + off
    nx2 = jnp.clip(x2, wx1, wx2) + off
    ar = (ny2 - ny1) * (nx2 - nx1)
    sc0 = jnp.where((cf > 0.0) & (m >= MIN_CONF), m, -1.0)
    ny1_s[...] = ny1
    nx1_s[...] = nx1
    ny2_s[...] = ny2
    nx2_s[...] = nx2

    fio = (jax.lax.broadcasted_iota(jnp.int32, (ROWS, LANES), 0) * LANES
           + jax.lax.broadcasted_iota(jnp.int32, (ROWS, LANES), 1))
    lane1 = jax.lax.broadcasted_iota(jnp.int32, (1, LANES), 1)
    orow = jax.lax.broadcasted_iota(jnp.int32, (8, LANES), 0)
    olane = jax.lax.broadcasted_iota(jnp.int32, (8, LANES), 1)

    def body(i, carry):
        sc, oy1, ox1, oy2, ox2, ocl, osc = carry
        mm = jnp.max(sc)
        bi = jnp.min(jnp.where(sc == mm, fio, NPAD))
        r0 = bi // LANES
        l0 = bi - r0 * LANES
        lm = lane1 == l0

        def ext(ref):
            return jnp.sum(jnp.where(lm, ref[pl.ds(r0, 1), :], 0.0))

        by1 = ext(ny1_s)
        bx1 = ext(nx1_s)
        by2 = ext(ny2_s)
        bx2 = ext(nx2_s)
        bcl = ext(cf_ref)

        yy1 = jnp.maximum(by1, ny1)
        xx1 = jnp.maximum(bx1, nx1)
        yy2 = jnp.minimum(by2, ny2)
        xx2 = jnp.minimum(bx2, nx2)
        inter = jnp.maximum(yy2 - yy1, 0.0) * jnp.maximum(xx2 - xx1, 0.0)
        area_a = (by2 - by1) * (bx2 - bx1)
        iou = inter / (area_a + ar - inter + 1e-8)
        sc = jnp.where((iou > NMS_THRESH) | (fio == bi), -1.0, sc)

        validf = (mm > 0.0).astype(jnp.float32)
        slot = (orow == 0) & (olane == i)
        oy1 = jnp.where(slot, (by1 - 4.0 * bcl) * validf, oy1)
        ox1 = jnp.where(slot, (bx1 - 4.0 * bcl) * validf, ox1)
        oy2 = jnp.where(slot, (by2 - 4.0 * bcl) * validf, oy2)
        ox2 = jnp.where(slot, (bx2 - 4.0 * bcl) * validf, ox2)
        ocl = jnp.where(slot, bcl * validf, ocl)
        osc = jnp.where(slot, mm * validf, osc)
        return sc, oy1, ox1, oy2, ox2, ocl, osc

    z = jnp.zeros((8, LANES), jnp.float32)
    carry = (sc0, z, z, z, z, z, z)
    carry = jax.lax.fori_loop(0, MAXDET, body, carry)
    _, oy1, ox1, oy2, ox2, ocl, osc = carry
    oy1_ref[...] = oy1
    ox1_ref[...] = ox1
    oy2_ref[...] = oy2
    ox2_ref[...] = ox2
    ocl_ref[...] = ocl
    osc_ref[...] = osc


@jax.jit
def kernel(rois, probs, deltas, window):
    ntiles = N // TILE
    win = jnp.broadcast_to(window.reshape(1, 4), (8, 4))

    packed = pl.pallas_call(
        _stage_a_body,
        grid=(ntiles,),
        in_specs=[pl.BlockSpec((TILE, C), lambda t: (t, 0))],
        out_specs=pl.BlockSpec((TILE, 8), lambda t: (t, 0)),
        out_shape=jax.ShapeDtypeStruct((N, 8), jnp.float32),
    )(probs)

    idx_pad = jnp.concatenate(
        [packed[:, 2].astype(jnp.int32),
         jnp.zeros((NPAD - N,), jnp.int32)]).reshape(SC_NW, GROWS, LANES)
    table = deltas.reshape(TROWS, LANES)

    mesh = plsc.VectorSubcoreMesh(core_axis_name="c", subcore_axis_name="s")
    gathered = pl.kernel(
        _gather_body,
        out_type=jax.ShapeDtypeStruct((NPAD, LANES), jnp.float32),
        mesh=mesh,
        scratch_types=[
            pltpu.VMEM((GROWS, LANES), jnp.int32),
            pltpu.VMEM((GB, LANES), jnp.float32),
            pltpu.SemaphoreType.DMA,
        ],
    )(table, idx_pad)

    grp_pad = jnp.concatenate(
        [packed[:, 3].astype(jnp.int32),
         jnp.zeros((NPAD - N,), jnp.int32)]).reshape(NPAD, 1)
    dsel = pl.pallas_call(
        _extract_body,
        grid=(NPAD // ETILE,),
        in_specs=[
            pl.BlockSpec((ETILE, LANES), lambda t: (t, 0)),
            pl.BlockSpec((ETILE, 1), lambda t: (t, 0)),
        ],
        out_specs=pl.BlockSpec((ETILE, 8), lambda t: (t, 0)),
        out_shape=jax.ShapeDtypeStruct((NPAD, 8), jnp.float32),
    )(gathered, grp_pad)

    def relay(a, fill):
        a = jnp.concatenate(
            [a, jnp.full((NPAD - N,), fill, jnp.float32)])
        return a.reshape(ROWS, LANES)

    full = pl.BlockSpec((ROWS, LANES), lambda: (0, 0))
    osmall = jax.ShapeDtypeStruct((8, LANES), jnp.float32)
    ospec = pl.BlockSpec((8, LANES), lambda: (0, 0))
    oy1, ox1, oy2, ox2, ocl, osc = pl.pallas_call(
        _nms_body,
        in_specs=[full] * 10 + [pl.BlockSpec((8, 4), lambda: (0, 0))],
        out_specs=[ospec] * 6,
        out_shape=[osmall] * 6,
        scratch_shapes=[pltpu.VMEM((ROWS, LANES), jnp.float32)] * 4,
    )(relay(packed[:, 0], -1.0), relay(packed[:, 1], 0.0),
      dsel[:, 0].reshape(ROWS, LANES),
      dsel[:, 1].reshape(ROWS, LANES),
      dsel[:, 2].reshape(ROWS, LANES),
      dsel[:, 3].reshape(ROWS, LANES),
      relay(rois[:, 0], 0.0), relay(rois[:, 1], 0.0),
      relay(rois[:, 2], 0.0), relay(rois[:, 3], 0.0), win)

    boxes = jnp.stack([oy1[0, :MAXDET], ox1[0, :MAXDET],
                       oy2[0, :MAXDET], ox2[0, :MAXDET]], axis=1)
    return jnp.concatenate(
        [boxes, ocl[0, :MAXDET, None], osc[0, :MAXDET, None]], axis=1)

# --- scband reference (transcript-rebuilt; emitter-appended) ---
"""Pipeline reference for scband-detection-layer-31662498906496 (READ-ONLY COPY).

The authoritative reference and input builder live on the scoring server;
editing this copy changes nothing except your own understanding.
"""

import jax, jax.numpy as jnp
import numpy as np

N = 20000
NUM_CLASSES = 81
BBOX_STD_DEV = jnp.array([0.1, 0.1, 0.2, 0.2], dtype=jnp.float32)
DETECTION_MIN_CONFIDENCE = 0.7
DETECTION_MAX_INSTANCES = 100
DETECTION_NMS_THRESHOLD = 0.3


def apply_box_deltas_graph(boxes, deltas):
    height = boxes[:, 2] - boxes[:, 0]
    width = boxes[:, 3] - boxes[:, 1]
    center_y = boxes[:, 0] + 0.5 * height
    center_x = boxes[:, 1] + 0.5 * width
    center_y = center_y + deltas[:, 0] * height
    center_x = center_x + deltas[:, 1] * width
    height = height * jnp.exp(deltas[:, 2])
    width = width * jnp.exp(deltas[:, 3])
    y1 = center_y - 0.5 * height
    x1 = center_x - 0.5 * width
    y2 = y1 + height
    x2 = x1 + width
    return jnp.stack([y1, x1, y2, x2], axis=1)


def clip_boxes_graph(boxes, window):
    wy1, wx1, wy2, wx2 = window[0], window[1], window[2], window[3]
    y1 = jnp.clip(boxes[:, 0], wy1, wy2)
    x1 = jnp.clip(boxes[:, 1], wx1, wx2)
    y2 = jnp.clip(boxes[:, 2], wy1, wy2)
    x2 = jnp.clip(boxes[:, 3], wx1, wx2)
    return jnp.stack([y1, x1, y2, x2], axis=1)


def _iou_one_vs_all(box, boxes):
    yy1 = jnp.maximum(box[0], boxes[:, 0])
    xx1 = jnp.maximum(box[1], boxes[:, 1])
    yy2 = jnp.minimum(box[2], boxes[:, 2])
    xx2 = jnp.minimum(box[3], boxes[:, 3])
    inter = jnp.maximum(yy2 - yy1, 0.0) * jnp.maximum(xx2 - xx1, 0.0)
    area_a = (box[2] - box[0]) * (box[3] - box[1])
    area_b = (boxes[:, 2] - boxes[:, 0]) * (boxes[:, 3] - boxes[:, 1])
    union = area_a + area_b - inter
    return inter / (union + 1e-8)


def refine_detections(rois, probs, deltas, window):
    n = probs.shape[0]
    class_ids = jnp.argmax(probs, axis=1)
    row = jnp.arange(n)
    class_scores = probs[row, class_ids]
    deltas_specific = deltas[row, class_ids]
    refined_rois = apply_box_deltas_graph(rois, deltas_specific * BBOX_STD_DEV)
    refined_rois = clip_boxes_graph(refined_rois, window)
    keep_mask = (class_ids > 0) & (class_scores >= DETECTION_MIN_CONFIDENCE)
    scores0 = jnp.where(keep_mask, class_scores, -1.0)
    # per-class NMS via coordinate offset trick (boxes of different classes never overlap)
    nms_boxes = refined_rois + class_ids.astype(jnp.float32)[:, None] * 4.0

    def body(scores_c, _):
        idx = jnp.argmax(scores_c)
        best_score = scores_c[idx]
        best_box = nms_boxes[idx]
        iou = _iou_one_vs_all(best_box, nms_boxes)
        suppress = iou > DETECTION_NMS_THRESHOLD
        new_scores = jnp.where(suppress, -1.0, scores_c)
        new_scores = new_scores.at[idx].set(-1.0)
        return new_scores, (idx, best_score)

    _, (sel_idx, sel_scores) = jax.lax.scan(body, scores0, None, length=DETECTION_MAX_INSTANCES)
    valid = sel_scores > 0.0
    det_boxes = refined_rois[sel_idx] * valid[:, None].astype(jnp.float32)
    det_class = class_ids[sel_idx].astype(jnp.float32) * valid.astype(jnp.float32)
    det_score = jnp.where(valid, sel_scores, 0.0)
    detections = jnp.concatenate([det_boxes, det_class[:, None], det_score[:, None]], axis=1)
    return detections


def setup_inputs(seed: int = 0):
    key = jax.random.key(seed)
    k1, k2, k3 = jax.random.split(key, 3)
    raw = jax.random.uniform(k1, (N, 4), dtype=jnp.float32)
    y = jnp.sort(raw[:, jnp.array([0, 2])], axis=1)
    x = jnp.sort(raw[:, jnp.array([1, 3])], axis=1)
    rois = jnp.stack([y[:, 0], x[:, 0], y[:, 1], x[:, 1]], axis=1)
    probs = jax.random.uniform(k2, (N, NUM_CLASSES), dtype=jnp.float32)
    deltas = jax.random.normal(k3, (N, NUM_CLASSES, 4), dtype=jnp.float32) * 0.5
    window = jnp.array([0.0, 0.0, 1.0, 1.0], dtype=jnp.float32)
    return {"rois": rois, "probs": probs, "deltas": deltas, "window": window}


def reference(rois, probs, deltas, window):
    return refine_detections(rois, probs, deltas, window)

if __name__ == "__main__":
    import jax
    _d = setup_inputs()
    print(jax.jit(kernel)(*tuple(_d.values())))

</pallas_src>

<mosaic_0001>
#map = affine_map<(d0, d1) -> (0, 0)>
#map1 = affine_map<(d0, d1) -> (0, 0, 0)>
module attributes {stable_mosaic.version = 14 : i64} {
  func.func @_gather_body(%arg0: i32, %arg1: i32, %arg2: memref<50625x128xf32, #tpu.memory_space<hbm>>, %arg3: memref<32x5x128xi32, #tpu.memory_space<hbm>>, %arg4: memref<20480x128xf32, #tpu.memory_space<hbm>>, %arg5: memref<5x128xi32, #tpu.memory_space<vmem>>, %arg6: memref<640x128xf32, #tpu.memory_space<vmem>>, %arg7: memref<!tpu.dma_semaphore, #tpu.memory_space<semaphore_mem>>) attributes {dimension_semantics = [#tpu.dimension_semantics<core_parallel>, #tpu.dimension_semantics<subcore_parallel>], iteration_bounds = array<i64: 2, 16>, scalar_prefetch = 0 : i64, scratch_operands = 3 : i64, tpu.core_type = #tpu.core_type<sc_vector_subcore>, window_params = [{transform_indices = #map}, {transform_indices = #map1}, {transform_indices = #map}]} {
    %mul3A = arith.constant 2 : i32
    %mul3A_0 = arith.muli %arg1, %mul3A : i32
    %add3A = arith.addi %mul3A_0, %arg0 : i32
    "tpu.region"() ({
      %run_scoped3A = tpu.sem_alloc : memref<!tpu.dma_semaphore, #tpu.memory_space<semaphore_mem>>
      %dma_start3A_101 = arith.constant 0 : i32
      %dma_start3A_102 = arith.constant 0 : i32
      %dma_start3A_103 = tpu.memref_slice %arg3[%add3A, %dma_start3A_101, %dma_start3A_102] : memref<32x5x128xi32, #tpu.memory_space<hbm>> -> memref<1x5x128xi32, #tpu.memory_space<hbm>>
      %dma_start3A_104 = tpu.memref_squeeze %dma_start3A_103 : memref<1x5x128xi32, #tpu.memory_space<hbm>> -> memref<5x128xi32, #tpu.memory_space<hbm>>
      %dma_start3A_105 = arith.constant 0 : i32
      %dma_start3A_106 = arith.constant 0 : i32
      %dma_start3A_107 = tpu.memref_slice %arg3[%add3A, %dma_start3A_105, %dma_start3A_106] : memref<32x5x128xi32, #tpu.memory_space<hbm>> -> memref<1x5x128xi32, #tpu.memory_space<hbm>>
      %dma_start3A_108 = tpu.memref_squeeze %dma_start3A_107 : memref<1x5x128xi32, #tpu.memory_space<hbm>> -> memref<5x128xi32, #tpu.memory_space<hbm>>
      tpu.enqueue_dma source(%dma_start3A_108 : memref<5x128xi32, #tpu.memory_space<hbm>>) target(%arg5 : memref<5x128xi32, #tpu.memory_space<vmem>>) target_semaphore(%run_scoped3A : memref<!tpu.dma_semaphore, #tpu.memory_space<semaphore_mem>>)
      %dma_wait3A_109 = arith.constant 0 : i32
      %dma_wait3A_110 = arith.constant 0 : i32
      %dma_wait3A_111 = tpu.memref_slice %arg3[%add3A, %dma_wait3A_109, %dma_wait3A_110] : memref<32x5x128xi32, #tpu.memory_space<hbm>> -> memref<1x5x128xi32, #tpu.memory_space<hbm>>
      %dma_wait3A_112 = tpu.memref_squeeze %dma_wait3A_111 : memref<1x5x128xi32, #tpu.memory_space<hbm>> -> memref<5x128xi32, #tpu.memory_space<hbm>>
      %dma_wait3A_113 = arith.constant 0 : i32
      %dma_wait3A_114 = arith.constant 0 : i32
      %dma_wait3A_115 = tpu.memref_slice %arg3[%add3A, %dma_wait3A_113, %dma_wait3A_114] : memref<32x5x128xi32, #tpu.memory_space<hbm>> -> memref<1x5x128xi32, #tpu.memory_space<hbm>>
      %dma_wait3A_116 = tpu.memref_squeeze %dma_wait3A_115 : memref<1x5x128xi32, #tpu.memory_space<hbm>> -> memref<5x128xi32, #tpu.memory_space<hbm>>
      tpu.wait_dma2 semaphore(%run_scoped3A : memref<!tpu.dma_semaphore, #tpu.memory_space<semaphore_mem>>) src(%dma_wait3A_116 : memref<5x128xi32, #tpu.memory_space<hbm>>) dst(%arg5 : memref<5x128xi32, #tpu.memory_space<vmem>>)
      tpu.yield
    }) : () -> ()
    %dma_start3A = arith.constant 0 : i32
    %dma_start3A_1 = arith.constant 0 : i32
    %dma_start3A_2 = arith.constant 0 : i32
    %dma_start3A_3 = tpu.memref_slice %arg6[%dma_start3A_1, %dma_start3A_2] : memref<640x128xf32, #tpu.memory_space<vmem>> -> memref<128x128xf32, #tpu.memory_space<vmem>>
    %dma_start3A_4 = arith.constant 0 : i32
    %dma_start3A_5 = tpu.memref_slice %arg5[%dma_start3A, %dma_start3A_4] : memref<5x128xi32, #tpu.memory_space<vmem>> -> memref<1x128xi32, #tpu.memory_space<vmem>>
    %dma_start3A_6 = tpu.memref_squeeze %dma_start3A_5 : memref<1x128xi32, #tpu.memory_space<vmem>> -> memref<128xi32, #tpu.memory_space<vmem>>
    %dma_start3A_7 = arith.constant 0 : i32
    %dma_start3A_8 = arith.constant 0 : i32
    %dma_start3A_9 = tpu.memref_slice %arg2[%dma_start3A_7, %dma_start3A_8] : memref<50625x128xf32, #tpu.memory_space<hbm>> -> memref<50625x128xf32, #tpu.memory_space<hbm>>
    tpu.enqueue_indirect_dma source(%dma_start3A_9 : memref<50625x128xf32, #tpu.memory_space<hbm>>) target(%dma_start3A_3 : memref<128x128xf32, #tpu.memory_space<vmem>>) offsets(%dma_start3A_6 : memref<128xi32, #tpu.memory_space<vmem>>) semaphore(%arg7 : memref<!tpu.dma_semaphore, #tpu.memory_space<semaphore_mem>>)
    %dma_start3A_10 = arith.constant 1 : i32
    %dma_start3A_11 = arith.constant 128 : i32
    %dma_start3A_12 = arith.constant 0 : i32
    %dma_start3A_13 = tpu.memref_slice %arg6[%dma_start3A_11, %dma_start3A_12] : memref<640x128xf32, #tpu.memory_space<vmem>> -> memref<128x128xf32, #tpu.memory_space<vmem>>
    %dma_start3A_14 = arith.constant 0 : i32
    %dma_start3A_15 = tpu.memref_slice %arg5[%dma_start3A_10, %dma_start3A_14] : memref<5x128xi32, #tpu.memory_space<vmem>> -> memref<1x128xi32, #tpu.memory_space<vmem>>
    %dma_start3A_16 = tpu.memref_squeeze %dma_start3A_15 : memref<1x128xi32, #tpu.memory_space<vmem>> -> memref<128xi32, #tpu.memory_space<vmem>>
    %dma_start3A_17 = arith.constant 0 : i32
    %dma_start3A_18 = arith.constant 0 : i32
    %dma_start3A_19 = tpu.memref_slice %arg2[%dma_start3A_17, %dma_start3A_18] : memref<50625x128xf32, #tpu.memory_space<hbm>> -> memref<50625x128xf32, #tpu.memory_space<hbm>>
    tpu.enqueue_indirect_dma source(%dma_start3A_19 : memref<50625x128xf32, #tpu.memory_space<hbm>>) target(%dma_start3A_13 : memref<128x128xf32, #tpu.memory_space<vmem>>) offsets(%dma_start3A_16 : memref<128xi32, #tpu.memory_space<vmem>>) semaphore(%arg7 : memref<!tpu.dma_semaphore, #tpu.memory_space<semaphore_mem>>)
    %dma_start3A_20 = arith.constant 2 : i32
    %dma_start3A_21 = arith.constant 256 : i32
    %dma_start3A_22 = arith.constant 0 : i32
    %dma_start3A_23 = tpu.memref_slice %arg6[%dma_start3A_21, %dma_start3A_22] : memref<640x128xf32, #tpu.memory_space<vmem>> -> memref<128x128xf32, #tpu.memory_space<vmem>>
    %dma_start3A_24 = arith.constant 0 : i32
    %dma_start3A_25 = tpu.memref_slice %arg5[%dma_start3A_20, %dma_start3A_24] : memref<5x128xi32, #tpu.memory_space<vmem>> -> memref<1x128xi32, #tpu.memory_space<vmem>>
    %dma_start3A_26 = tpu.memref_squeeze %dma_start3A_25 : memref<1x128xi32, #tpu.memory_space<vmem>> -> memref<128xi32, #tpu.memory_space<vmem>>
    %dma_start3A_27 = arith.constant 0 : i32
    %dma_start3A_28 = arith.constant 0 : i32
    %dma_start3A_29 = tpu.memref_slice %arg2[%dma_start3A_27, %dma_start3A_28] : memref<50625x128xf32, #tpu.memory_space<hbm>> -> memref<50625x128xf32, #tpu.memory_space<hbm>>
    tpu.enqueue_indirect_dma source(%dma_start3A_29 : memref<50625x128xf32, #tpu.memory_space<hbm>>) target(%dma_start3A_23 : memref<128x128xf32, #tpu.memory_space<vmem>>) offsets(%dma_start3A_26 : memref<128xi32, #tpu.memory_space<vmem>>) semaphore(%arg7 : memref<!tpu.dma_semaphore, #tpu.memory_space<semaphore_mem>>)
    %dma_start3A_30 = arith.constant 3 : i32
    %dma_start3A_31 = arith.constant 384 : i32
    %dma_start3A_32 = arith.constant 0 : i32
    %dma_start3A_33 = tpu.memref_slice %arg6[%dma_start3A_31, %dma_start3A_32] : memref<640x128xf32, #tpu.memory_space<vmem>> -> memref<128x128xf32, #tpu.memory_space<vmem>>
    %dma_start3A_34 = arith.constant 0 : i32
    %dma_start3A_35 = tpu.memref_slice %arg5[%dma_start3A_30, %dma_start3A_34] : memref<5x128xi32, #tpu.memory_space<vmem>> -> memref<1x128xi32, #tpu.memory_space<vmem>>
    %dma_start3A_36 = tpu.memref_squeeze %dma_start3A_35 : memref<1x128xi32, #tpu.memory_space<vmem>> -> memref<128xi32, #tpu.memory_space<vmem>>
    %dma_start3A_37 = arith.constant 0 : i32
    %dma_start3A_38 = arith.constant 0 : i32
    %dma_start3A_39 = tpu.memref_slice %arg2[%dma_start3A_37, %dma_start3A_38] : memref<50625x128xf32, #tpu.memory_space<hbm>> -> memref<50625x128xf32, #tpu.memory_space<hbm>>
    tpu.enqueue_indirect_dma source(%dma_start3A_39 : memref<50625x128xf32, #tpu.memory_space<hbm>>) target(%dma_start3A_33 : memref<128x128xf32, #tpu.memory_space<vmem>>) offsets(%dma_start3A_36 : memref<128xi32, #tpu.memory_space<vmem>>) semaphore(%arg7 : memref<!tpu.dma_semaphore, #tpu.memory_space<semaphore_mem>>)
    %dma_start3A_40 = arith.constant 4 : i32
    %dma_start3A_41 = arith.constant 512 : i32
    %dma_start3A_42 = arith.constant 0 : i32
    %dma_start3A_43 = tpu.memref_slice %arg6[%dma_start3A_41, %dma_start3A_42] : memref<640x128xf32, #tpu.memory_space<vmem>> -> memref<128x128xf32, #tpu.memory_space<vmem>>
    %dma_start3A_44 = arith.constant 0 : i32
    %dma_start3A_45 = tpu.memref_slice %arg5[%dma_start3A_40, %dma_start3A_44] : memref<5x128xi32, #tpu.memory_space<vmem>> -> memref<1x128xi32, #tpu.memory_space<vmem>>
    %dma_start3A_46 = tpu.memref_squeeze %dma_start3A_45 : memref<1x128xi32, #tpu.memory_space<vmem>> -> memref<128xi32, #tpu.memory_space<vmem>>
    %dma_start3A_47 = arith.constant 0 : i32
    %dma_start3A_48 = arith.constant 0 : i32
    %dma_start3A_49 = tpu.memref_slice %arg2[%dma_start3A_47, %dma_start3A_48] : memref<50625x128xf32, #tpu.memory_space<hbm>> -> memref<50625x128xf32, #tpu.memory_space<hbm>>
    tpu.enqueue_indirect_dma source(%dma_start3A_49 : memref<50625x128xf32, #tpu.memory_space<hbm>>) target(%dma_start3A_43 : memref<128x128xf32, #tpu.memory_space<vmem>>) offsets(%dma_start3A_46 : memref<128xi32, #tpu.memory_space<vmem>>) semaphore(%arg7 : memref<!tpu.dma_semaphore, #tpu.memory_space<semaphore_mem>>)
    %dma_wait3A = arith.constant 0 : i32
    %dma_wait3A_50 = arith.constant 0 : i32
    %dma_wait3A_51 = arith.constant 0 : i32
    %dma_wait3A_52 = tpu.memref_slice %arg6[%dma_wait3A_50, %dma_wait3A_51] : memref<640x128xf32, #tpu.memory_space<vmem>> -> memref<128x128xf32, #tpu.memory_space<vmem>>
    %dma_wait3A_53 = arith.constant 0 : i32
    %dma_wait3A_54 = tpu.memref_slice %arg5[%dma_wait3A, %dma_wait3A_53] : memref<5x128xi32, #tpu.memory_space<vmem>> -> memref<1x128xi32, #tpu.memory_space<vmem>>
    %dma_wait3A_55 = tpu.memref_squeeze %dma_wait3A_54 : memref<1x128xi32, #tpu.memory_space<vmem>> -> memref<128xi32, #tpu.memory_space<vmem>>
    %dma_wait3A_56 = arith.constant 0 : i32
    %dma_wait3A_57 = arith.constant 0 : i32
    %dma_wait3A_58 = tpu.memref_slice %arg2[%dma_wait3A_56, %dma_wait3A_57] : memref<50625x128xf32, #tpu.memory_space<hbm>> -> memref<50625x128xf32, #tpu.memory_space<hbm>>
    tpu.wait_indirect_dma semaphore(%arg7 : memref<!tpu.dma_semaphore, #tpu.memory_space<semaphore_mem>>) src(%dma_wait3A_58 : memref<50625x128xf32, #tpu.memory_space<hbm>>) dst(%dma_wait3A_52 : memref<128x128xf32, #tpu.memory_space<vmem>>)
    %dma_wait3A_59 = arith.constant 1 : i32
    %dma_wait3A_60 = arith.constant 128 : i32
    %dma_wait3A_61 = arith.constant 0 : i32
    %dma_wait3A_62 = tpu.memref_slice %arg6[%dma_wait3A_60, %dma_wait3A_61] : memref<640x128xf32, #tpu.memory_space<vmem>> -> memref<128x128xf32, #tpu.memory_space<vmem>>
    %dma_wait3A_63 = arith.constant 0 : i32
    %dma_wait3A_64 = tpu.memref_slice %arg5[%dma_wait3A_59, %dma_wait3A_63] : memref<5x128xi32, #tpu.memory_space<vmem>> -> memref<1x128xi32, #tpu.memory_space<vmem>>
    %dma_wait3A_65 = tpu.memref_squeeze %dma_wait3A_64 : memref<1x128xi32, #tpu.memory_space<vmem>> -> memref<128xi32, #tpu.memory_space<vmem>>
    %dma_wait3A_66 = arith.constant 0 : i32
    %dma_wait3A_67 = arith.constant 0 : i32
    %dma_wait3A_68 = tpu.memref_slice %arg2[%dma_wait3A_66, %dma_wait3A_67] : memref<50625x128xf32, #tpu.memory_space<hbm>> -> memref<50625x128xf32, #tpu.memory_space<hbm>>
    tpu.wait_indirect_dma semaphore(%arg7 : memref<!tpu.dma_semaphore, #tpu.memory_space<semaphore_mem>>) src(%dma_wait3A_68 : memref<50625x128xf32, #tpu.memory_space<hbm>>) dst(%dma_wait3A_62 : memref<128x128xf32, #tpu.memory_space<vmem>>)
    %dma_wait3A_69 = arith.constant 2 : i32
    %dma_wait3A_70 = arith.constant 256 : i32
    %dma_wait3A_71 = arith.constant 0 : i32
    %dma_wait3A_72 = tpu.memref_slice %arg6[%dma_wait3A_70, %dma_wait3A_71] : memref<640x128xf32, #tpu.memory_space<vmem>> -> memref<128x128xf32, #tpu.memory_space<vmem>>
    %dma_wait3A_73 = arith.constant 0 : i32
    %dma_wait3A_74 = tpu.memref_slice %arg5[%dma_wait3A_69, %dma_wait3A_73] : memref<5x128xi32, #tpu.memory_space<vmem>> -> memref<1x128xi32, #tpu.memory_space<vmem>>
    %dma_wait3A_75 = tpu.memref_squeeze %dma_wait3A_74 : memref<1x128xi32, #tpu.memory_space<vmem>> -> memref<128xi32, #tpu.memory_space<vmem>>
    %dma_wait3A_76 = arith.constant 0 : i32
    %dma_wait3A_77 = arith.constant 0 : i32
    %dma_wait3A_78 = tpu.memref_slice %arg2[%dma_wait3A_76, %dma_wait3A_77] : memref<50625x128xf32, #tpu.memory_space<hbm>> -> memref<50625x128xf32, #tpu.memory_space<hbm>>
    tpu.wait_indirect_dma semaphore(%arg7 : memref<!tpu.dma_semaphore, #tpu.memory_space<semaphore_mem>>) src(%dma_wait3A_78 : memref<50625x128xf32, #tpu.memory_space<hbm>>) dst(%dma_wait3A_72 : memref<128x128xf32, #tpu.memory_space<vmem>>)
    %dma_wait3A_79 = arith.constant 3 : i32
    %dma_wait3A_80 = arith.constant 384 : i32
    %dma_wait3A_81 = arith.constant 0 : i32
    %dma_wait3A_82 = tpu.memref_slice %arg6[%dma_wait3A_80, %dma_wait3A_81] : memref<640x128xf32, #tpu.memory_space<vmem>> -> memref<128x128xf32, #tpu.memory_space<vmem>>
    %dma_wait3A_83 = arith.constant 0 : i32
    %dma_wait3A_84 = tpu.memref_slice %arg5[%dma_wait3A_79, %dma_wait3A_83] : memref<5x128xi32, #tpu.memory_space<vmem>> -> memref<1x128xi32, #tpu.memory_space<vmem>>
    %dma_wait3A_85 = tpu.memref_squeeze %dma_wait3A_84 : memref<1x128xi32, #tpu.memory_space<vmem>> -> memref<128xi32, #tpu.memory_space<vmem>>
    %dma_wait3A_86 = arith.constant 0 : i32
    %dma_wait3A_87 = arith.constant 0 : i32
    %dma_wait3A_88 = tpu.memref_slice %arg2[%dma_wait3A_86, %dma_wait3A_87] : memref<50625x128xf32, #tpu.memory_space<hbm>> -> memref<50625x128xf32, #tpu.memory_space<hbm>>
    tpu.wait_indirect_dma semaphore(%arg7 : memref<!tpu.dma_semaphore, #tpu.memory_space<semaphore_mem>>) src(%dma_wait3A_88 : memref<50625x128xf32, #tpu.memory_space<hbm>>) dst(%dma_wait3A_82 : memref<128x128xf32, #tpu.memory_space<vmem>>)
    %dma_wait3A_89 = arith.constant 4 : i32
    %dma_wait3A_90 = arith.constant 512 : i32
    %dma_wait3A_91 = arith.constant 0 : i32
    %dma_wait3A_92 = tpu.memref_slice %arg6[%dma_wait3A_90, %dma_wait3A_91] : memref<640x128xf32, #tpu.memory_space<vmem>> -> memref<128x128xf32, #tpu.memory_space<vmem>>
    %dma_wait3A_93 = arith.constant 0 : i32
    %dma_wait3A_94 = tpu.memref_slice %arg5[%dma_wait3A_89, %dma_wait3A_93] : memref<5x128xi32, #tpu.memory_space<vmem>> -> memref<1x128xi32, #tpu.memory_space<vmem>>
    %dma_wait3A_95 = tpu.memref_squeeze %dma_wait3A_94 : memref<1x128xi32, #tpu.memory_space<vmem>> -> memref<128xi32, #tpu.memory_space<vmem>>
    %dma_wait3A_96 = arith.constant 0 : i32
    %dma_wait3A_97 = arith.constant 0 : i32
    %dma_wait3A_98 = tpu.memref_slice %arg2[%dma_wait3A_96, %dma_wait3A_97] : memref<50625x128xf32, #tpu.memory_space<hbm>> -> memref<50625x128xf32, #tpu.memory_space<hbm>>
    tpu.wait_indirect_dma semaphore(%arg7 : memref<!tpu.dma_semaphore, #tpu.memory_space<semaphore_mem>>) src(%dma_wait3A_98 : memref<50625x128xf32, #tpu.memory_space<hbm>>) dst(%dma_wait3A_92 : memref<128x128xf32, #tpu.memory_space<vmem>>)
    %mul3A_99 = arith.constant 640 : i32
    %mul3A_100 = arith.muli %add3A, %mul3A_99 : i32
    "tpu.region"() ({
      %run_scoped3A = tpu.sem_alloc : memref<!tpu.dma_semaphore, #tpu.memory_space<semaphore_mem>>
      %dma_start3A_101 = arith.constant 0 : i32
      %dma_start3A_102 = tpu.memref_slice %arg4[%mul3A_100, %dma_start3A_101] : memref<20480x128xf32, #tpu.memory_space<hbm>> -> memref<640x128xf32, #tpu.memory_space<hbm>>
      %dma_start3A_103 = arith.constant 0 : i32
      %dma_start3A_104 = tpu.memref_slice %arg4[%mul3A_100, %dma_start3A_103] : memref<20480x128xf32, #tpu.memory_space<hbm>> -> memref<640x128xf32, #tpu.memory_space<hbm>>
      tpu.enqueue_dma source(%arg6 : memref<640x128xf32, #tpu.memory_space<vmem>>) target(%dma_start3A_104 : memref<640x128xf32, #tpu.memory_space<hbm>>) target_semaphore(%run_scoped3A : memref<!tpu.dma_semaphore, #tpu.memory_space<semaphore_mem>>)
      %dma_wait3A_105 = arith.constant 0 : i32
      %dma_wait3A_106 = tpu.memref_slice %arg4[%mul3A_100, %dma_wait3A_105] : memref<20480x128xf32, #tpu.memory_space<hbm>> -> memref<640x128xf32, #tpu.memory_space<hbm>>
      %dma_wait3A_107 = arith.constant 0 : i32
      %dma_wait3A_108 = tpu.memref_slice %arg4[%mul3A_100, %dma_wait3A_107] : memref<20480x128xf32, #tpu.memory_space<hbm>> -> memref<640x128xf32, #tpu.memory_space<hbm>>
      tpu.wait_dma2 semaphore(%run_scoped3A : memref<!tpu.dma_semaphore, #tpu.memory_space<semaphore_mem>>) src(%arg6 : memref<640x128xf32, #tpu.memory_space<vmem>>) dst(%dma_wait3A_108 : memref<640x128xf32, #tpu.memory_space<hbm>>)
      tpu.yield
    }) : () -> ()
    return
  }
}

module attributes {stable_mosaic.version = 14 : i64} {
  func.func @_stage_a_body(%arg0: i32, %arg1: memref<2000x81xf32, #tpu.memory_space<vmem>>, %arg2: memref<2000x8xf32, #tpu.memory_space<vmem>>) attributes {dimension_semantics = [#tpu.dimension_semantics<arbitrary>], iteration_bounds = array<i64: 10>, scalar_prefetch = 0 : i64, scratch_operands = 0 : i64, tpu.core_type = #tpu.core_type<tc>, window_params = [{transform_indices = @transform_0, window_bounds = array<i64: 2000, 81>}, {transform_indices = @transform_1, window_bounds = array<i64: 2000, 8>}]} {
    %get3A = arith.constant 0 : index
    %get3A_0 = arith.constant 0 : index
    %get3A_1 = vector.load %arg1[%get3A, %get3A_0] : memref<2000x81xf32, #tpu.memory_space<vmem>>, vector<2000x81xf32>
    %reduce_max3A = arith.constant dense<0xFF800000> : vector<2000xf32>
    %reduce_max3A_2 = vector.multi_reduction <maximumf>, %get3A_1, %reduce_max3A [1] : vector<2000x81xf32> to vector<2000xf32>
    %broadcast_in_dim3A = vector.shape_cast %reduce_max3A_2 : vector<2000xf32> to vector<2000x1xf32>
    %iota3A = tpu.iota {dimensions = array<i32: 1>} : vector<2000x81xi32>
    %eq3A = vector.broadcast %broadcast_in_dim3A : vector<2000x1xf32> to vector<2000x81xf32>
    %eq3A_3 = arith.cmpf oeq, %get3A_1, %eq3A : vector<2000x81xf32>
    %jit3A = arith.constant 81 : i32
    %broadcast_in_dim3A_4 = vector.broadcast %jit3A : i32 to vector<2000x81xi32>
    %select_n3A = arith.select %eq3A_3, %iota3A, %broadcast_in_dim3A_4 : vector<2000x81xi1>, vector<2000x81xi32>
    %reduce_min3A = arith.constant dense<2147483647> : vector<2000xi32>
    %reduce_min3A_5 = vector.multi_reduction <minsi>, %select_n3A, %reduce_min3A [1] : vector<2000x81xi32> to vector<2000xi32>
    %broadcast_in_dim3A_6 = vector.shape_cast %reduce_min3A_5 : vector<2000xi32> to vector<2000x1xi32>
    %mul3A = arith.constant 2000 : i32
    %mul3A_7 = arith.muli %arg0, %mul3A : i32
    %iota3A_8 = tpu.iota {dimensions = array<i32: 0>} : vector<2000x1xi32>
    %add3A = vector.broadcast %mul3A_7 : i32 to vector<2000x1xi32>
    %add3A_9 = arith.addi %add3A, %iota3A_8 : vector<2000x1xi32>
    %mul3A_10 = arith.constant 81 : i32
    %mul3A_11 = vector.broadcast %mul3A_10 : i32 to vector<2000x1xi32>
    %mul3A_12 = arith.muli %mul3A_11, %add3A_9 : vector<2000x1xi32>
    %add3A_13 = arith.addi %mul3A_12, %broadcast_in_dim3A_6 : vector<2000x1xi32>
    %convert_element_type3A = arith.sitofp %broadcast_in_dim3A_6 : vector<2000x1xi32> to vector<2000x1xf32>
    %jit3A_14 = arith.constant 32 : i32
    %div3A = vector.broadcast %jit3A_14 : i32 to vector<2000x1xi32>
    %div3A_15 = arith.divsi %add3A_13, %div3A : vector<2000x1xi32>
    %sign3A = arith.constant 0 : i32
    %sign3A_16 = vector.broadcast %sign3A : i32 to vector<2000x1xi32>
    %sign3A_17 = arith.cmpi sgt, %add3A_13, %sign3A_16 : vector<2000x1xi32>
    %sign3A_18 = arith.extui %sign3A_17 : vector<2000x1xi1> to vector<2000x1xi32>
    %sign3A_19 = arith.constant 0 : i32
    %sign3A_20 = vector.broadcast %sign3A_19 : i32 to vector<2000x1xi32>
    %sign3A_21 = arith.cmpi slt, %add3A_13, %sign3A_20 : vector<2000x1xi32>
    %sign3A_22 = arith.extui %sign3A_21 : vector<2000x1xi1> to vector<2000x1xi32>
    %sign3A_23 = arith.subi %sign3A_18, %sign3A_22 : vector<2000x1xi32>
    %sign3A_24 = arith.constant 0 : i32
    %sign3A_25 = arith.cmpi sgt, %jit3A_14, %sign3A_24 : i32
    %sign3A_26 = arith.extui %sign3A_25 : i1 to i32
    %sign3A_27 = arith.constant 0 : i32
    %sign3A_28 = arith.cmpi slt, %jit3A_14, %sign3A_27 : i32
    %sign3A_29 = arith.extui %sign3A_28 : i1 to i32
    %sign3A_30 = arith.subi %sign3A_26, %sign3A_29 : i32
    %ne3A = vector.broadcast %sign3A_30 : i32 to vector<2000x1xi32>
    %ne3A_31 = arith.cmpi ne, %sign3A_23, %ne3A : vector<2000x1xi32>
    %rem3A = vector.broadcast %jit3A_14 : i32 to vector<2000x1xi32>
    %rem3A_32 = arith.remsi %add3A_13, %rem3A : vector<2000x1xi32>
    %ne3A_33 = arith.constant 0 : i32
    %ne3A_34 = vector.broadcast %ne3A_33 : i32 to vector<2000x1xi32>
    %ne3A_35 = arith.cmpi ne, %rem3A_32, %ne3A_34 : vector<2000x1xi32>
    %and3A = arith.andi %ne3A_31, %ne3A_35 : vector<2000x1xi1>
    %sub3A = arith.constant 1 : i32
    %sub3A_36 = vector.broadcast %sub3A : i32 to vector<2000x1xi32>
    %sub3A_37 = arith.subi %div3A_15, %sub3A_36 : vector<2000x1xi32>
    %select_n3A_38 = arith.select %and3A, %sub3A_37, %div3A_15 : vector<2000x1xi1>, vector<2000x1xi32>
    %convert_element_type3A_39 = arith.sitofp %select_n3A_38 : vector<2000x1xi32> to vector<2000x1xf32>
    %jit3A_40 = arith.constant 32 : i32
    %div3A_41 = vector.broadcast %jit3A_40 : i32 to vector<2000x1xi32>
    %div3A_42 = arith.divsi %add3A_13, %div3A_41 : vector<2000x1xi32>
    %sign3A_43 = arith.constant 0 : i32
    %sign3A_44 = vector.broadcast %sign3A_43 : i32 to vector<2000x1xi32>
    %sign3A_45 = arith.cmpi sgt, %add3A_13, %sign3A_44 : vector<2000x1xi32>
    %sign3A_46 = arith.extui %sign3A_45 : vector<2000x1xi1> to vector<2000x1xi32>
    %sign3A_47 = arith.constant 0 : i32
    %sign3A_48 = vector.broadcast %sign3A_47 : i32 to vector<2000x1xi32>
    %sign3A_49 = arith.cmpi slt, %add3A_13, %sign3A_48 : vector<2000x1xi32>
    %sign3A_50 = arith.extui %sign3A_49 : vector<2000x1xi1> to vector<2000x1xi32>
    %sign3A_51 = arith.subi %sign3A_46, %sign3A_50 : vector<2000x1xi32>
    %sign3A_52 = arith.constant 0 : i32
    %sign3A_53 = arith.cmpi sgt, %jit3A_40, %sign3A_52 : i32
    %sign3A_54 = arith.extui %sign3A_53 : i1 to i32
    %sign3A_55 = arith.constant 0 : i32
    %sign3A_56 = arith.cmpi slt, %jit3A_40, %sign3A_55 : i32
    %sign3A_57 = arith.extui %sign3A_56 : i1 to i32
    %sign3A_58 = arith.subi %sign3A_54, %sign3A_57 : i32
    %ne3A_59 = vector.broadcast %sign3A_58 : i32 to vector<2000x1xi32>
    %ne3A_60 = arith.cmpi ne, %sign3A_51, %ne3A_59 : vector<2000x1xi32>
    %rem3A_61 = vector.broadcast %jit3A_40 : i32 to vector<2000x1xi32>
    %rem3A_62 = arith.remsi %add3A_13, %rem3A_61 : vector<2000x1xi32>
    %ne3A_63 = arith.constant 0 : i32
    %ne3A_64 = vector.broadcast %ne3A_63 : i32 to vector<2000x1xi32>
    %ne3A_65 = arith.cmpi ne, %rem3A_62, %ne3A_64 : vector<2000x1xi32>
    %and3A_66 = arith.andi %ne3A_60, %ne3A_65 : vector<2000x1xi1>
    %sub3A_67 = arith.constant 1 : i32
    %sub3A_68 = vector.broadcast %sub3A_67 : i32 to vector<2000x1xi32>
    %sub3A_69 = arith.subi %div3A_42, %sub3A_68 : vector<2000x1xi32>
    %select_n3A_70 = arith.select %and3A_66, %sub3A_69, %div3A_42 : vector<2000x1xi1>, vector<2000x1xi32>
    %mul3A_71 = arith.constant 32 : i32
    %mul3A_72 = vector.broadcast %mul3A_71 : i32 to vector<2000x1xi32>
    %mul3A_73 = arith.muli %mul3A_72, %select_n3A_70 : vector<2000x1xi32>
    %sub3A_74 = arith.subi %add3A_13, %mul3A_73 : vector<2000x1xi32>
    %convert_element_type3A_75 = arith.sitofp %sub3A_74 : vector<2000x1xi32> to vector<2000x1xf32>
    %concatenate3A = tpu.concatenate %broadcast_in_dim3A, %convert_element_type3A, %convert_element_type3A_39, %convert_element_type3A_75, %broadcast_in_dim3A, %broadcast_in_dim3A, %broadcast_in_dim3A, %broadcast_in_dim3A in 1 : vector<2000x1xf32>, vector<2000x1xf32>, vector<2000x1xf32>, vector<2000x1xf32>, vector<2000x1xf32>, vector<2000x1xf32>, vector<2000x1xf32>, vector<2000x1xf32> -> vector<2000x8xf32>
    %swap3A = arith.constant 0 : index
    %swap3A_76 = arith.constant 0 : index
    %swap3A_77 = vector.load %arg2[%swap3A, %swap3A_76] : memref<2000x8xf32, #tpu.memory_space<vmem>>, vector<2000x8xf32>
    tpu.vector_store %arg2[%swap3A, %swap3A_76], %concatenate3A {strides = array<i32>} : memref<2000x8xf32, #tpu.memory_space<vmem>>, vector<2000x8xf32>,
    return
  }
  func.func @transform_0(%arg0: i32) -> (i32, i32) {
    %c0_i32 = arith.constant 0 : i32
    %c0_i32_0 = arith.constant 0 : i32
    return %arg0, %c0_i32 : i32, i32
  }
  func.func @transform_1(%arg0: i32) -> (i32, i32) {
    %c0_i32 = arith.constant 0 : i32
    %c0_i32_0 = arith.constant 0 : i32
    return %arg0, %c0_i32 : i32, i32
  }
}

module attributes {stable_mosaic.version = 14 : i64} {
  func.func @_extract_body(%arg0: i32, %arg1: memref<2048x128xf32, #tpu.memory_space<vmem>>, %arg2: memref<2048x1xi32, #tpu.memory_space<vmem>>, %arg3: memref<2048x8xf32, #tpu.memory_space<vmem>>) attributes {dimension_semantics = [#tpu.dimension_semantics<arbitrary>], iteration_bounds = array<i64: 10>, scalar_prefetch = 0 : i64, scratch_operands = 0 : i64, tpu.core_type = #tpu.core_type<tc>, window_params = [{transform_indices = @transform_0, window_bounds = array<i64: 2048, 128>}, {transform_indices = @transform_1, window_bounds = array<i64: 2048, 1>}, {transform_indices = @transform_2, window_bounds = array<i64: 2048, 8>}]} {
    %get3A = arith.constant 0 : index
    %get3A_0 = arith.constant 0 : index
    %get3A_1 = vector.load %arg1[%get3A, %get3A_0] : memref<2048x128xf32, #tpu.memory_space<vmem>>, vector<2048x128xf32>
    %get3A_2 = arith.constant 0 : index
    %get3A_3 = arith.constant 0 : index
    %get3A_4 = vector.load %arg2[%get3A_2, %get3A_3] : memref<2048x1xi32, #tpu.memory_space<vmem>>, vector<2048x1xi32>
    %iota3A = tpu.iota {dimensions = array<i32: 1>} : vector<2048x128xi32>
    %jit3A = arith.constant 4 : i32
    %div3A = vector.broadcast %jit3A : i32 to vector<2048x128xi32>
    %div3A_5 = arith.divsi %iota3A, %div3A : vector<2048x128xi32>
    %sign3A = arith.constant 0 : i32
    %sign3A_6 = vector.broadcast %sign3A : i32 to vector<2048x128xi32>
    %sign3A_7 = arith.cmpi sgt, %iota3A, %sign3A_6 : vector<2048x128xi32>
    %sign3A_8 = arith.extui %sign3A_7 : vector<2048x128xi1> to vector<2048x128xi32>
    %sign3A_9 = arith.constant 0 : i32
    %sign3A_10 = vector.broadcast %sign3A_9 : i32 to vector<2048x128xi32>
    %sign3A_11 = arith.cmpi slt, %iota3A, %sign3A_10 : vector<2048x128xi32>
    %sign3A_12 = arith.extui %sign3A_11 : vector<2048x128xi1> to vector<2048x128xi32>
    %sign3A_13 = arith.subi %sign3A_8, %sign3A_12 : vector<2048x128xi32>
    %sign3A_14 = arith.constant 0 : i32
    %sign3A_15 = arith.cmpi sgt, %jit3A, %sign3A_14 : i32
    %sign3A_16 = arith.extui %sign3A_15 : i1 to i32
    %sign3A_17 = arith.constant 0 : i32
    %sign3A_18 = arith.cmpi slt, %jit3A, %sign3A_17 : i32
    %sign3A_19 = arith.extui %sign3A_18 : i1 to i32
    %sign3A_20 = arith.subi %sign3A_16, %sign3A_19 : i32
    %ne3A = vector.broadcast %sign3A_20 : i32 to vector<2048x128xi32>
    %ne3A_21 = arith.cmpi ne, %sign3A_13, %ne3A : vector<2048x128xi32>
    %rem3A = vector.broadcast %jit3A : i32 to vector<2048x128xi32>
    %rem3A_22 = arith.remsi %iota3A, %rem3A : vector<2048x128xi32>
    %ne3A_23 = arith.constant 0 : i32
    %ne3A_24 = vector.broadcast %ne3A_23 : i32 to vector<2048x128xi32>
    %ne3A_25 = arith.cmpi ne, %rem3A_22, %ne3A_24 : vector<2048x128xi32>
    %and3A = arith.andi %ne3A_21, %ne3A_25 : vector<2048x128xi1>
    %sub3A = arith.constant 1 : i32
    %sub3A_26 = vector.broadcast %sub3A : i32 to vector<2048x128xi32>
    %sub3A_27 = arith.subi %div3A_5, %sub3A_26 : vector<2048x128xi32>
    %select_n3A = arith.select %and3A, %sub3A_27, %div3A_5 : vector<2048x128xi1>, vector<2048x128xi32>
    %eq3A = vector.broadcast %get3A_4 : vector<2048x1xi32> to vector<2048x128xi32>
    %eq3A_28 = arith.cmpi eq, %select_n3A, %eq3A : vector<2048x128xi32>
    %jit3A_29 = arith.constant 0.000000e+00 : f32
    %broadcast_in_dim3A = vector.broadcast %jit3A_29 : f32 to vector<2048x128xf32>
    %select_n3A_30 = arith.select %eq3A_28, %get3A_1, %broadcast_in_dim3A : vector<2048x128xi1>, vector<2048x128xf32>
    %slice3A = vector.extract_strided_slice %select_n3A_30 {offsets = [0, 4], sizes = [2048, 124], strides = [1, 1]} : vector<2048x128xf32> to vector<2048x124xf32>
    %slice3A_31 = vector.extract_strided_slice %select_n3A_30 {offsets = [0, 0], sizes = [2048, 4], strides = [1, 1]} : vector<2048x128xf32> to vector<2048x4xf32>
    %concatenate3A = tpu.concatenate %slice3A, %slice3A_31 in 1 : vector<2048x124xf32>, vector<2048x4xf32> -> vector<2048x128xf32>
    %add3A = arith.addf %select_n3A_30, %concatenate3A : vector<2048x128xf32>
    %slice3A_32 = vector.extract_strided_slice %add3A {offsets = [0, 8], sizes = [2048, 120], strides = [1, 1]} : vector<2048x128xf32> to vector<2048x120xf32>
    %slice3A_33 = vector.extract_strided_slice %add3A {offsets = [0, 0], sizes = [2048, 8], strides = [1, 1]} : vector<2048x128xf32> to vector<2048x8xf32>
    %concatenate3A_34 = tpu.concatenate %slice3A_32, %slice3A_33 in 1 : vector<2048x120xf32>, vector<2048x8xf32> -> vector<2048x128xf32>
    %add3A_35 = arith.addf %add3A, %concatenate3A_34 : vector<2048x128xf32>
    %slice3A_36 = vector.extract_strided_slice %add3A_35 {offsets = [0, 16], sizes = [2048, 112], strides = [1, 1]} : vector<2048x128xf32> to vector<2048x112xf32>
    %slice3A_37 = vector.extract_strided_slice %add3A_35 {offsets = [0, 0], sizes = [2048, 16], strides = [1, 1]} : vector<2048x128xf32> to vector<2048x16xf32>
    %concatenate3A_38 = tpu.concatenate %slice3A_36, %slice3A_37 in 1 : vector<2048x112xf32>, vector<2048x16xf32> -> vector<2048x128xf32>
    %add3A_39 = arith.addf %add3A_35, %concatenate3A_38 : vector<2048x128xf32>
    %slice3A_40 = vector.extract_strided_slice %add3A_39 {offsets = [0, 32], sizes = [2048, 96], strides = [1, 1]} : vector<2048x128xf32> to vector<2048x96xf32>
    %slice3A_41 = vector.extract_strided_slice %add3A_39 {offsets = [0, 0], sizes = [2048, 32], strides = [1, 1]} : vector<2048x128xf32> to vector<2048x32xf32>
    %concatenate3A_42 = tpu.concatenate %slice3A_40, %slice3A_41 in 1 : vector<2048x96xf32>, vector<2048x32xf32> -> vector<2048x128xf32>
    %add3A_43 = arith.addf %add3A_39, %concatenate3A_42 : vector<2048x128xf32>
    %slice3A_44 = vector.extract_strided_slice %add3A_43 {offsets = [0, 64], sizes = [2048, 64], strides = [1, 1]} : vector<2048x128xf32> to vector<2048x64xf32>
    %slice3A_45 = vector.extract_strided_slice %add3A_43 {offsets = [0, 0], sizes = [2048, 64], strides = [1, 1]} : vector<2048x128xf32> to vector<2048x64xf32>
    %concatenate3A_46 = tpu.concatenate %slice3A_44, %slice3A_45 in 1 : vector<2048x64xf32>, vector<2048x64xf32> -> vector<2048x128xf32>
    %add3A_47 = arith.addf %add3A_43, %concatenate3A_46 : vector<2048x128xf32>
    %slice3A_48 = vector.extract_strided_slice %add3A_47 {offsets = [0, 0], sizes = [2048, 8], strides = [1, 1]} : vector<2048x128xf32> to vector<2048x8xf32>
    %swap3A = arith.constant 0 : index
    %swap3A_49 = arith.constant 0 : index
    %swap3A_50 = vector.load %arg3[%swap3A, %swap3A_49] : memref<2048x8xf32, #tpu.memory_space<vmem>>, vector<2048x8xf32>
    tpu.vector_store %arg3[%swap3A, %swap3A_49], %slice3A_48 {strides = array<i32>} : memref<2048x8xf32, #tpu.memory_space<vmem>>, vector<2048x8xf32>,
    return
  }
  func.func @transform_0(%arg0: i32) -> (i32, i32) {
    %c0_i32 = arith.constant 0 : i32
    %c0_i32_0 = arith.constant 0 : i32
    return %arg0, %c0_i32 : i32, i32
  }
  func.func @transform_1(%arg0: i32) -> (i32, i32) {
    %c0_i32 = arith.constant 0 : i32
    %c0_i32_0 = arith.constant 0 : i32
    return %arg0, %c0_i32 : i32, i32
  }
  func.func @transform_2(%arg0: i32) -> (i32, i32) {
    %c0_i32 = arith.constant 0 : i32
    %c0_i32_0 = arith.constant 0 : i32
    return %arg0, %c0_i32 : i32, i32
  }
}

module attributes {stable_mosaic.version = 14 : i64} {
  func.func @_nms_body(%arg0: memref<160x128xf32, #tpu.memory_space<vmem>>, %arg1: memref<160x128xf32, #tpu.memory_space<vmem>>, %arg2: memref<160x128xf32, #tpu.memory_space<vmem>>, %arg3: memref<160x128xf32, #tpu.memory_space<vmem>>, %arg4: memref<160x128xf32, #tpu.memory_space<vmem>>, %arg5: memref<160x128xf32, #tpu.memory_space<vmem>>, %arg6: memref<160x128xf32, #tpu.memory_space<vmem>>, %arg7: memref<160x128xf32, #tpu.memory_space<vmem>>, %arg8: memref<160x128xf32, #tpu.memory_space<vmem>>, %arg9: memref<160x128xf32, #tpu.memory_space<vmem>>, %arg10: memref<8x4xf32, #tpu.memory_space<vmem>>, %arg11: memref<8x128xf32, #tpu.memory_space<vmem>>, %arg12: memref<8x128xf32, #tpu.memory_space<vmem>>, %arg13: memref<8x128xf32, #tpu.memory_space<vmem>>, %arg14: memref<8x128xf32, #tpu.memory_space<vmem>>, %arg15: memref<8x128xf32, #tpu.memory_space<vmem>>, %arg16: memref<8x128xf32, #tpu.memory_space<vmem>>, %arg17: memref<160x128xf32, #tpu.memory_space<vmem>>, %arg18: memref<160x128xf32, #tpu.memory_space<vmem>>, %arg19: memref<160x128xf32, #tpu.memory_space<vmem>>, %arg20: memref<160x128xf32, #tpu.memory_space<vmem>>) attributes {dimension_semantics = [], scalar_prefetch = 0 : i64, scratch_operands = 4 : i64, tpu.core_type = #tpu.core_type<tc>} {
    %get3A = arith.constant 0 : index
    %get3A_0 = arith.constant 0 : index
    %get3A_1 = vector.load %arg1[%get3A, %get3A_0] : memref<160x128xf32, #tpu.memory_space<vmem>>, vector<160x128xf32>
    %get3A_2 = arith.constant 0 : index
    %get3A_3 = arith.constant 0 : index
    %get3A_4 = vector.load %arg0[%get3A_2, %get3A_3] : memref<160x128xf32, #tpu.memory_space<vmem>>, vector<160x128xf32>
    %get3A_5 = arith.constant 0 : index
    %get3A_6 = arith.constant 0 : index
    %get3A_7 = vector.load %arg8[%get3A_5, %get3A_6] : memref<160x128xf32, #tpu.memory_space<vmem>>, vector<160x128xf32>
    %get3A_8 = arith.constant 0 : index
    %get3A_9 = arith.constant 0 : index
    %get3A_10 = vector.load %arg6[%get3A_8, %get3A_9] : memref<160x128xf32, #tpu.memory_space<vmem>>, vector<160x128xf32>
    %sub3A = arith.subf %get3A_7, %get3A_10 : vector<160x128xf32>
    %get3A_11 = arith.constant 0 : index
    %get3A_12 = arith.constant 0 : index
    %get3A_13 = vector.load %arg9[%get3A_11, %get3A_12] : memref<160x128xf32, #tpu.memory_space<vmem>>, vector<160x128xf32>
    %get3A_14 = arith.constant 0 : index
    %get3A_15 = arith.constant 0 : index
    %get3A_16 = vector.load %arg7[%get3A_14, %get3A_15] : memref<160x128xf32, #tpu.memory_space<vmem>>, vector<160x128xf32>
    %sub3A_17 = arith.subf %get3A_13, %get3A_16 : vector<160x128xf32>
    %get3A_18 = arith.constant 0 : index
    %get3A_19 = arith.constant 0 : index
    %get3A_20 = vector.load %arg6[%get3A_18, %get3A_19] : memref<160x128xf32, #tpu.memory_space<vmem>>, vector<160x128xf32>
    %mul3A = arith.constant 5.000000e-01 : f32
    %mul3A_21 = vector.broadcast %mul3A : f32 to vector<160x128xf32>
    %mul3A_22 = arith.mulf %mul3A_21, %sub3A : vector<160x128xf32>
    %add3A = arith.addf %get3A_20, %mul3A_22 : vector<160x128xf32>
    %get3A_23 = arith.constant 0 : index
    %get3A_24 = arith.constant 0 : index
    %get3A_25 = vector.load %arg2[%get3A_23, %get3A_24] : memref<160x128xf32, #tpu.memory_space<vmem>>, vector<160x128xf32>
    %mul3A_26 = arith.constant 1.000000e-01 : f32
    %mul3A_27 = vector.broadcast %mul3A_26 : f32 to vector<160x128xf32>
    %mul3A_28 = arith.mulf %get3A_25, %mul3A_27 : vector<160x128xf32>
    %mul3A_29 = arith.mulf %mul3A_28, %sub3A : vector<160x128xf32>
    %add3A_30 = arith.addf %add3A, %mul3A_29 : vector<160x128xf32>
    %get3A_31 = arith.constant 0 : index
    %get3A_32 = arith.constant 0 : index
    %get3A_33 = vector.load %arg7[%get3A_31, %get3A_32] : memref<160x128xf32, #tpu.memory_space<vmem>>, vector<160x128xf32>
    %mul3A_34 = arith.constant 5.000000e-01 : f32
    %mul3A_35 = vector.broadcast %mul3A_34 : f32 to vector<160x128xf32>
    %mul3A_36 = arith.mulf %mul3A_35, %sub3A_17 : vector<160x128xf32>
    %add3A_37 = arith.addf %get3A_33, %mul3A_36 : vector<160x128xf32>
    %get3A_38 = arith.constant 0 : index
    %get3A_39 = arith.constant 0 : index
    %get3A_40 = vector.load %arg3[%get3A_38, %get3A_39] : memref<160x128xf32, #tpu.memory_space<vmem>>, vector<160x128xf32>
    %mul3A_41 = arith.constant 1.000000e-01 : f32
    %mul3A_42 = vector.broadcast %mul3A_41 : f32 to vector<160x128xf32>
    %mul3A_43 = arith.mulf %get3A_40, %mul3A_42 : vector<160x128xf32>
    %mul3A_44 = arith.mulf %mul3A_43, %sub3A_17 : vector<160x128xf32>
    %add3A_45 = arith.addf %add3A_37, %mul3A_44 : vector<160x128xf32>
    %get3A_46 = arith.constant 0 : index
    %get3A_47 = arith.constant 0 : index
    %get3A_48 = vector.load %arg4[%get3A_46, %get3A_47] : memref<160x128xf32, #tpu.memory_space<vmem>>, vector<160x128xf32>
    %mul3A_49 = arith.constant 2.000000e-01 : f32
    %mul3A_50 = vector.broadcast %mul3A_49 : f32 to vector<160x128xf32>
    %mul3A_51 = arith.mulf %get3A_48, %mul3A_50 : vector<160x128xf32>
    %exp3A = math.exp %mul3A_51 : vector<160x128xf32>
    %mul3A_52 = arith.mulf %sub3A, %exp3A : vector<160x128xf32>
    %get3A_53 = arith.constant 0 : index
    %get3A_54 = arith.constant 0 : index
    %get3A_55 = vector.load %arg5[%get3A_53, %get3A_54] : memref<160x128xf32, #tpu.memory_space<vmem>>, vector<160x128xf32>
    %mul3A_56 = arith.constant 2.000000e-01 : f32
    %mul3A_57 = vector.broadcast %mul3A_56 : f32 to vector<160x128xf32>
    %mul3A_58 = arith.mulf %get3A_55, %mul3A_57 : vector<160x128xf32>
    %exp3A_59 = math.exp %mul3A_58 : vector<160x128xf32>
    %mul3A_60 = arith.mulf %sub3A_17, %exp3A_59 : vector<160x128xf32>
    %mul3A_61 = arith.constant 5.000000e-01 : f32
    %mul3A_62 = vector.broadcast %mul3A_61 : f32 to vector<160x128xf32>
    %mul3A_63 = arith.mulf %mul3A_62, %mul3A_52 : vector<160x128xf32>
    %sub3A_64 = arith.subf %add3A_30, %mul3A_63 : vector<160x128xf32>
    %mul3A_65 = arith.constant 5.000000e-01 : f32
    %mul3A_66 = vector.broadcast %mul3A_65 : f32 to vector<160x128xf32>
    %mul3A_67 = arith.mulf %mul3A_66, %mul3A_60 : vector<160x128xf32>
    %sub3A_68 = arith.subf %add3A_45, %mul3A_67 : vector<160x128xf32>
    %add3A_69 = arith.addf %sub3A_64, %mul3A_52 : vector<160x128xf32>
    %add3A_70 = arith.addf %sub3A_68, %mul3A_60 : vector<160x128xf32>
    %get3A_71 = arith.constant 0 : index
    %get3A_72 = arith.constant 0 : index
    %get3A_73 = vector.load %arg10[%get3A_71, %get3A_72] : memref<8x4xf32, #tpu.memory_space<vmem>>, vector<1x1xf32>
    %get3A_74 = vector.extract %get3A_73[0, 0] : f32 from vector<1x1xf32>
    %get3A_75 = arith.constant 0 : index
    %get3A_76 = arith.constant 1 : index
    %get3A_77 = vector.load %arg10[%get3A_75, %get3A_76] : memref<8x4xf32, #tpu.memory_space<vmem>>, vector<1x1xf32>
    %get3A_78 = vector.extract %get3A_77[0, 0] : f32 from vector<1x1xf32>
    %get3A_79 = arith.constant 0 : index
    %get3A_80 = arith.constant 2 : index
    %get3A_81 = vector.load %arg10[%get3A_79, %get3A_80] : memref<8x4xf32, #tpu.memory_space<vmem>>, vector<1x1xf32>
    %get3A_82 = vector.extract %get3A_81[0, 0] : f32 from vector<1x1xf32>
    %get3A_83 = arith.constant 0 : index
    %get3A_84 = arith.constant 3 : index
    %get3A_85 = vector.load %arg10[%get3A_83, %get3A_84] : memref<8x4xf32, #tpu.memory_space<vmem>>, vector<1x1xf32>
    %get3A_86 = vector.extract %get3A_85[0, 0] : f32 from vector<1x1xf32>
    %mul3A_87 = arith.constant 4.000000e+00 : f32
    %mul3A_88 = vector.broadcast %mul3A_87 : f32 to vector<160x128xf32>
    %mul3A_89 = arith.mulf %mul3A_88, %get3A_1 : vector<160x128xf32>
    %max3A = vector.broadcast %get3A_74 : f32 to vector<160x128xf32>
    %max3A_90 = arith.maximumf %max3A, %sub3A_64 : vector<160x128xf32>
    %min3A = vector.broadcast %get3A_82 : f32 to vector<160x128xf32>
    %min3A_91 = arith.minimumf %min3A, %max3A_90 : vector<160x128xf32>
    %add3A_92 = arith.addf %min3A_91, %mul3A_89 : vector<160x128xf32>
    %max3A_93 = vector.broadcast %get3A_78 : f32 to vector<160x128xf32>
    %max3A_94 = arith.maximumf %max3A_93, %sub3A_68 : vector<160x128xf32>
    %min3A_95 = vector.broadcast %get3A_86 : f32 to vector<160x128xf32>
    %min3A_96 = arith.minimumf %min3A_95, %max3A_94 : vector<160x128xf32>
    %add3A_97 = arith.addf %min3A_96, %mul3A_89 : vector<160x128xf32>
    %max3A_98 = vector.broadcast %get3A_74 : f32 to vector<160x128xf32>
    %max3A_99 = arith.maximumf %max3A_98, %add3A_69 : vector<160x128xf32>
    %min3A_100 = vector.broadcast %get3A_82 : f32 to vector<160x128xf32>
    %min3A_101 = arith.minimumf %min3A_100, %max3A_99 : vector<160x128xf32>
    %add3A_102 = arith.addf %min3A_101, %mul3A_89 : vector<160x128xf32>
    %max3A_103 = vector.broadcast %get3A_78 : f32 to vector<160x128xf32>
    %max3A_104 = arith.maximumf %max3A_103, %add3A_70 : vector<160x128xf32>
    %min3A_105 = vector.broadcast %get3A_86 : f32 to vector<160x128xf32>
    %min3A_106 = arith.minimumf %min3A_105, %max3A_104 : vector<160x128xf32>
    %add3A_107 = arith.addf %min3A_106, %mul3A_89 : vector<160x128xf32>
    %sub3A_108 = arith.subf %add3A_102, %add3A_92 : vector<160x128xf32>
    %sub3A_109 = arith.subf %add3A_107, %add3A_97 : vector<160x128xf32>
    %mul3A_110 = arith.mulf %sub3A_108, %sub3A_109 : vector<160x128xf32>
    %gt3A = arith.constant 0.000000e+00 : f32
    %gt3A_111 = vector.broadcast %gt3A : f32 to vector<160x128xf32>
    %gt3A_112 = arith.cmpf ogt, %get3A_1, %gt3A_111 : vector<160x128xf32>
    %ge3A = arith.constant 0.699999988 : f32
    %ge3A_113 = vector.broadcast %ge3A : f32 to vector<160x128xf32>
    %ge3A_114 = arith.cmpf oge, %get3A_4, %ge3A_113 : vector<160x128xf32>
    %and3A = arith.andi %gt3A_112, %ge3A_114 : vector<160x128xi1>
    %jit3A = arith.constant -1.000000e+00 : f32
    %broadcast_in_dim3A = vector.broadcast %jit3A : f32 to vector<160x128xf32>
    %select_n3A = arith.select %and3A, %get3A_4, %broadcast_in_dim3A : vector<160x128xi1>, vector<160x128xf32>
    %swap3A = arith.constant 0 : index
    %swap3A_115 = arith.constant 0 : index
    %swap3A_116 = vector.load %arg17[%swap3A, %swap3A_115] : memref<160x128xf32, #tpu.memory_space<vmem>>, vector<160x128xf32>
    tpu.vector_store %arg17[%swap3A, %swap3A_115], %add3A_92 {strides = array<i32>} : memref<160x128xf32, #tpu.memory_space<vmem>>, vector<160x128xf32>,
    %swap3A_117 = arith.constant 0 : index
    %swap3A_118 = arith.constant 0 : index
    %swap3A_119 = vector.load %arg18[%swap3A_117, %swap3A_118] : memref<160x128xf32, #tpu.memory_space<vmem>>, vector<160x128xf32>
    tpu.vector_store %arg18[%swap3A_117, %swap3A_118], %add3A_97 {strides = array<i32>} : memref<160x128xf32, #tpu.memory_space<vmem>>, vector<160x128xf32>,
    %swap3A_120 = arith.constant 0 : index
    %swap3A_121 = arith.constant 0 : index
    %swap3A_122 = vector.load %arg19[%swap3A_120, %swap3A_121] : memref<160x128xf32, #tpu.memory_space<vmem>>, vector<160x128xf32>
    tpu.vector_store %arg19[%swap3A_120, %swap3A_121], %add3A_102 {strides = array<i32>} : memref<160x128xf32, #tpu.memory_space<vmem>>, vector<160x128xf32>,
    %swap3A_123 = arith.constant 0 : index
    %swap3A_124 = arith.constant 0 : index
    %swap3A_125 = vector.load %arg20[%swap3A_123, %swap3A_124] : memref<160x128xf32, #tpu.memory_space<vmem>>, vector<160x128xf32>
    tpu.vector_store %arg20[%swap3A_123, %swap3A_124], %add3A_107 {strides = array<i32>} : memref<160x128xf32, #tpu.memory_space<vmem>>, vector<160x128xf32>,
    %iota3A = tpu.iota {dimensions = array<i32: 0>} : vector<160x128xi32>
    %mul3A_126 = arith.constant 128 : i32
    %mul3A_127 = vector.broadcast %mul3A_126 : i32 to vector<160x128xi32>
    %mul3A_128 = arith.muli %iota3A, %mul3A_127 : vector<160x128xi32>
    %iota3A_129 = tpu.iota {dimensions = array<i32: 1>} : vector<160x128xi32>
    %add3A_130 = arith.addi %mul3A_128, %iota3A_129 : vector<160x128xi32>
    %iota3A_131 = tpu.iota {dimensions = array<i32: 1>} : vector<1x128xi32>
    %iota3A_132 = tpu.iota {dimensions = array<i32: 0>} : vector<8x128xi32>
    %iota3A_133 = tpu.iota {dimensions = array<i32: 1>} : vector<8x128xi32>
    %broadcast_in_dim3A_134 = arith.constant 0.000000e+00 : f32
    %broadcast_in_dim3A_135 = vector.broadcast %broadcast_in_dim3A_134 : f32 to vector<8x128xf32>
    %scan3A = arith.constant 0 : i32
    %scan3A_136 = arith.constant 100 : i32
    %scan3A_137 = arith.addi %scan3A, %scan3A_136 : i32
    %scan3A_138 = arith.constant 1 : i32
    %scan3A_139:7 = scf.for %scan3A_159 = %scan3A to %scan3A_137 step %scan3A_138 iter_args(%scan3A_160 = %select_n3A, %scan3A_161 = %broadcast_in_dim3A_135, %scan3A_162 = %broadcast_in_dim3A_135, %scan3A_163 = %broadcast_in_dim3A_135, %scan3A_164 = %broadcast_in_dim3A_135, %scan3A_165 = %broadcast_in_dim3A_135, %scan3A_166 = %broadcast_in_dim3A_135) -> (vector<160x128xf32>, vector<8x128xf32>, vector<8x128xf32>, vector<8x128xf32>, vector<8x128xf32>, vector<8x128xf32>, vector<8x128xf32>)  : i32 {
      %reduce_max3A = vector.shape_cast %scan3A_160 : vector<160x128xf32> to vector<1x160x128xf32>
      %reduce_max3A_167 = arith.constant dense<0xFF800000> : vector<1xf32>
      %reduce_max3A_168 = vector.multi_reduction <maximumf>, %reduce_max3A, %reduce_max3A_167 [1, 2] : vector<1x160x128xf32> to vector<1xf32>
      %reduce_max3A_169 = vector.shape_cast %reduce_max3A_168 : vector<1xf32> to vector<1x1x1xf32>
      %reduce_max3A_170 = vector.extract %reduce_max3A_169[0, 0, 0] : f32 from vector<1x1x1xf32>
      %eq3A = vector.broadcast %reduce_max3A_170 : f32 to vector<160x128xf32>
      %eq3A_171 = arith.cmpf oeq, %scan3A_160, %eq3A : vector<160x128xf32>
      %jit3A_172 = arith.constant 20480 : i32
      %broadcast_in_dim3A_173 = vector.broadcast %jit3A_172 : i32 to vector<160x128xi32>
      %select_n3A_174 = arith.select %eq3A_171, %add3A_130, %broadcast_in_dim3A_173 : vector<160x128xi1>, vector<160x128xi32>
      %reduce_min3A = vector.shape_cast %select_n3A_174 : vector<160x128xi32> to vector<1x160x128xi32>
      %reduce_min3A_175 = arith.constant dense<2147483647> : vector<1xi32>
      %reduce_min3A_176 = vector.multi_reduction <minsi>, %reduce_min3A, %reduce_min3A_175 [1, 2] : vector<1x160x128xi32> to vector<1xi32>
      %reduce_min3A_177 = vector.shape_cast %reduce_min3A_176 : vector<1xi32> to vector<1x1x1xi32>
      %reduce_min3A_178 = vector.extract %reduce_min3A_177[0, 0, 0] : i32 from vector<1x1x1xi32>
      %jit3A_179 = arith.constant 128 : i32
      %div3A = arith.divsi %reduce_min3A_178, %jit3A_179 : i32
      %sign3A = arith.constant 0 : i32
      %sign3A_180 = arith.cmpi sgt, %reduce_min3A_178, %sign3A : i32
      %sign3A_181 = arith.extui %sign3A_180 : i1 to i32
      %sign3A_182 = arith.constant 0 : i32
      %sign3A_183 = arith.cmpi slt, %reduce_min3A_178, %sign3A_182 : i32
      %sign3A_184 = arith.extui %sign3A_183 : i1 to i32
      %sign3A_185 = arith.subi %sign3A_181, %sign3A_184 : i32
      %sign3A_186 = arith.constant 0 : i32
      %sign3A_187 = arith.cmpi sgt, %jit3A_179, %sign3A_186 : i32
      %sign3A_188 = arith.extui %sign3A_187 : i1 to i32
      %sign3A_189 = arith.constant 0 : i32
      %sign3A_190 = arith.cmpi slt, %jit3A_179, %sign3A_189 : i32
      %sign3A_191 = arith.extui %sign3A_190 : i1 to i32
      %sign3A_192 = arith.subi %sign3A_188, %sign3A_191 : i32
      %ne3A = arith.cmpi ne, %sign3A_185, %sign3A_192 : i32
      %rem3A = arith.remsi %reduce_min3A_178, %jit3A_179 : i32
      %ne3A_193 = arith.constant 0 : i32
      %ne3A_194 = arith.cmpi ne, %rem3A, %ne3A_193 : i32
      %and3A_195 = arith.andi %ne3A, %ne3A_194 : i1
      %sub3A_196 = arith.constant 1 : i32
      %sub3A_197 = arith.subi %div3A, %sub3A_196 : i32
      %select_n3A_198 = arith.select %and3A_195, %sub3A_197, %div3A : i32
      %mul3A_199 = arith.constant 128 : i32
      %mul3A_200 = arith.muli %select_n3A_198, %mul3A_199 : i32
      %sub3A_201 = arith.subi %reduce_min3A_178, %mul3A_200 : i32
      %eq3A_202 = vector.broadcast %sub3A_201 : i32 to vector<1x128xi32>
      %eq3A_203 = arith.cmpi eq, %iota3A_131, %eq3A_202 : vector<1x128xi32>
      %get3A_204 = arith.index_cast %select_n3A_198 : i32 to index
      %get3A_205 = arith.constant 0 : index
      %get3A_206 = vector.load %arg17[%get3A_204, %get3A_205] : memref<160x128xf32, #tpu.memory_space<vmem>>, vector<1x128xf32>
      %jit3A_207 = arith.constant 0.000000e+00 : f32
      %broadcast_in_dim3A_208 = vector.broadcast %jit3A_207 : f32 to vector<1x128xf32>
      %select_n3A_209 = arith.select %eq3A_203, %get3A_206, %broadcast_in_dim3A_208 : vector<1x128xi1>, vector<1x128xf32>
      %reduce_sum3A = vector.shape_cast %select_n3A_209 : vector<1x128xf32> to vector<1x1x128xf32>
      %reduce_sum3A_210 = arith.constant dense<0.000000e+00> : vector<1xf32>
      %reduce_sum3A_211 = vector.multi_reduction <add>, %reduce_sum3A, %reduce_sum3A_210 [1, 2] : vector<1x1x128xf32> to vector<1xf32>
      %reduce_sum3A_212 = vector.shape_cast %reduce_sum3A_211 : vector<1xf32> to vector<1x1x1xf32>
      %reduce_sum3A_213 = vector.extract %reduce_sum3A_212[0, 0, 0] : f32 from vector<1x1x1xf32>
      %get3A_214 = arith.index_cast %select_n3A_198 : i32 to index
      %get3A_215 = arith.constant 0 : index
      %get3A_216 = vector.load %arg18[%get3A_214, %get3A_215] : memref<160x128xf32, #tpu.memory_space<vmem>>, vector<1x128xf32>
      %jit3A_217 = arith.constant 0.000000e+00 : f32
      %broadcast_in_dim3A_218 = vector.broadcast %jit3A_217 : f32 to vector<1x128xf32>
      %select_n3A_219 = arith.select %eq3A_203, %get3A_216, %broadcast_in_dim3A_218 : vector<1x128xi1>, vector<1x128xf32>
      %reduce_sum3A_220 = vector.shape_cast %select_n3A_219 : vector<1x128xf32> to vector<1x1x128xf32>
      %reduce_sum3A_221 = arith.constant dense<0.000000e+00> : vector<1xf32>
      %reduce_sum3A_222 = vector.multi_reduction <add>, %reduce_sum3A_220, %reduce_sum3A_221 [1, 2] : vector<1x1x128xf32> to vector<1xf32>
      %reduce_sum3A_223 = vector.shape_cast %reduce_sum3A_222 : vector<1xf32> to vector<1x1x1xf32>
      %reduce_sum3A_224 = vector.extract %reduce_sum3A_223[0, 0, 0] : f32 from vector<1x1x1xf32>
      %get3A_225 = arith.index_cast %select_n3A_198 : i32 to index
      %get3A_226 = arith.constant 0 : index
      %get3A_227 = vector.load %arg19[%get3A_225, %get3A_226] : memref<160x128xf32, #tpu.memory_space<vmem>>, vector<1x128xf32>
      %jit3A_228 = arith.constant 0.000000e+00 : f32
      %broadcast_in_dim3A_229 = vector.broadcast %jit3A_228 : f32 to vector<1x128xf32>
      %select_n3A_230 = arith.select %eq3A_203, %get3A_227, %broadcast_in_dim3A_229 : vector<1x128xi1>, vector<1x128xf32>
      %reduce_sum3A_231 = vector.shape_cast %select_n3A_230 : vector<1x128xf32> to vector<1x1x128xf32>
      %reduce_sum3A_232 = arith.constant dense<0.000000e+00> : vector<1xf32>
      %reduce_sum3A_233 = vector.multi_reduction <add>, %reduce_sum3A_231, %reduce_sum3A_232 [1, 2] : vector<1x1x128xf32> to vector<1xf32>
      %reduce_sum3A_234 = vector.shape_cast %reduce_sum3A_233 : vector<1xf32> to vector<1x1x1xf32>
      %reduce_sum3A_235 = vector.extract %reduce_sum3A_234[0, 0, 0] : f32 from vector<1x1x1xf32>
      %get3A_236 = arith.index_cast %select_n3A_198 : i32 to index
      %get3A_237 = arith.constant 0 : index
      %get3A_238 = vector.load %arg20[%get3A_236, %get3A_237] : memref<160x128xf32, #tpu.memory_space<vmem>>, vector<1x128xf32>
      %jit3A_239 = arith.constant 0.000000e+00 : f32
      %broadcast_in_dim3A_240 = vector.broadcast %jit3A_239 : f32 to vector<1x128xf32>
      %select_n3A_241 = arith.select %eq3A_203, %get3A_238, %broadcast_in_dim3A_240 : vector<1x128xi1>, vector<1x128xf32>
      %reduce_sum3A_242 = vector.shape_cast %select_n3A_241 : vector<1x128xf32> to vector<1x1x128xf32>
      %reduce_sum3A_243 = arith.constant dense<0.000000e+00> : vector<1xf32>
      %reduce_sum3A_244 = vector.multi_reduction <add>, %reduce_sum3A_242, %reduce_sum3A_243 [1, 2] : vector<1x1x128xf32> to vector<1xf32>
      %reduce_sum3A_245 = vector.shape_cast %reduce_sum3A_244 : vector<1xf32> to vector<1x1x1xf32>
      %reduce_sum3A_246 = vector.extract %reduce_sum3A_245[0, 0, 0] : f32 from vector<1x1x1xf32>
      %get3A_247 = arith.index_cast %select_n3A_198 : i32 to index
      %get3A_248 = arith.constant 0 : index
      %get3A_249 = vector.load %arg1[%get3A_247, %get3A_248] : memref<160x128xf32, #tpu.memory_space<vmem>>, vector<1x128xf32>
      %jit3A_250 = arith.constant 0.000000e+00 : f32
      %broadcast_in_dim3A_251 = vector.broadcast %jit3A_250 : f32 to vector<1x128xf32>
      %select_n3A_252 = arith.select %eq3A_203, %get3A_249, %broadcast_in_dim3A_251 : vector<1x128xi1>, vector<1x128xf32>
      %reduce_sum3A_253 = vector.shape_cast %select_n3A_252 : vector<1x128xf32> to vector<1x1x128xf32>
      %reduce_sum3A_254 = arith.constant dense<0.000000e+00> : vector<1xf32>
      %reduce_sum3A_255 = vector.multi_reduction <add>, %reduce_sum3A_253, %reduce_sum3A_254 [1, 2] : vector<1x1x128xf32> to vector<1xf32>
      %reduce_sum3A_256 = vector.shape_cast %reduce_sum3A_255 : vector<1xf32> to vector<1x1x1xf32>
      %reduce_sum3A_257 = vector.extract %reduce_sum3A_256[0, 0, 0] : f32 from vector<1x1x1xf32>
      %max3A_258 = vector.broadcast %reduce_sum3A_213 : f32 to vector<160x128xf32>
      %max3A_259 = arith.maximumf %max3A_258, %add3A_92 : vector<160x128xf32>
      %max3A_260 = vector.broadcast %reduce_sum3A_224 : f32 to vector<160x128xf32>
      %max3A_261 = arith.maximumf %max3A_260, %add3A_97 : vector<160x128xf32>
      %min3A_262 = vector.broadcast %reduce_sum3A_235 : f32 to vector<160x128xf32>
      %min3A_263 = arith.minimumf %min3A_262, %add3A_102 : vector<160x128xf32>
      %min3A_264 = vector.broadcast %reduce_sum3A_246 : f32 to vector<160x128xf32>
      %min3A_265 = arith.minimumf %min3A_264, %add3A_107 : vector<160x128xf32>
      %sub3A_266 = arith.subf %min3A_263, %max3A_259 : vector<160x128xf32>
      %max3A_267 = arith.constant 0.000000e+00 : f32
      %max3A_268 = vector.broadcast %max3A_267 : f32 to vector<160x128xf32>
      %max3A_269 = arith.maximumf %sub3A_266, %max3A_268 : vector<160x128xf32>
      %sub3A_270 = arith.subf %min3A_265, %max3A_261 : vector<160x128xf32>
      %max3A_271 = arith.constant 0.000000e+00 : f32
      %max3A_272 = vector.broadcast %max3A_271 : f32 to vector<160x128xf32>
      %max3A_273 = arith.maximumf %sub3A_270, %max3A_272 : vector<160x128xf32>
      %mul3A_274 = arith.mulf %max3A_269, %max3A_273 : vector<160x128xf32>
      %sub3A_275 = arith.subf %reduce_sum3A_235, %reduce_sum3A_213 : f32
      %sub3A_276 = arith.subf %reduce_sum3A_246, %reduce_sum3A_224 : f32
      %mul3A_277 = arith.mulf %sub3A_275, %sub3A_276 : f32
      %add3A_278 = vector.broadcast %mul3A_277 : f32 to vector<160x128xf32>
      %add3A_279 = arith.addf %add3A_278, %mul3A_110 : vector<160x128xf32>
      %sub3A_280 = arith.subf %add3A_279, %mul3A_274 : vector<160x128xf32>
      %add3A_281 = arith.constant 9.99999993E-9 : f32
      %add3A_282 = vector.broadcast %add3A_281 : f32 to vector<160x128xf32>
      %add3A_283 = arith.addf %sub3A_280, %add3A_282 : vector<160x128xf32>
      %div3A_284 = arith.divf %mul3A_274, %add3A_283 : vector<160x128xf32>
      %gt3A_285 = arith.constant 3.000000e-01 : f32
      %gt3A_286 = vector.broadcast %gt3A_285 : f32 to vector<160x128xf32>
      %gt3A_287 = arith.cmpf ogt, %div3A_284, %gt3A_286 : vector<160x128xf32>
      %eq3A_288 = vector.broadcast %reduce_min3A_178 : i32 to vector<160x128xi32>
      %eq3A_289 = arith.cmpi eq, %add3A_130, %eq3A_288 : vector<160x128xi32>
      %or3A = arith.ori %gt3A_287, %eq3A_289 : vector<160x128xi1>
      %jit3A_290 = arith.constant -1.000000e+00 : f32
      %broadcast_in_dim3A_291 = vector.broadcast %jit3A_290 : f32 to vector<160x128xf32>
      %select_n3A_292 = arith.select %or3A, %broadcast_in_dim3A_291, %scan3A_160 : vector<160x128xi1>, vector<160x128xf32>
      %gt3A_293 = arith.constant 0.000000e+00 : f32
      %gt3A_294 = arith.cmpf ogt, %reduce_max3A_170, %gt3A_293 : f32
      %convert_element_type3A = arith.extui %gt3A_294 : i1 to i32
      %convert_element_type3A_295 = arith.sitofp %convert_element_type3A : i32 to f32
      %eq3A_296 = arith.constant 0 : i32
      %eq3A_297 = vector.broadcast %eq3A_296 : i32 to vector<8x128xi32>
      %eq3A_298 = arith.cmpi eq, %iota3A_132, %eq3A_297 : vector<8x128xi32>
      %eq3A_299 = vector.broadcast %scan3A_159 : i32 to vector<8x128xi32>
      %eq3A_300 = arith.cmpi eq, %iota3A_133, %eq3A_299 : vector<8x128xi32>
      %and3A_301 = arith.andi %eq3A_298, %eq3A_300 : vector<8x128xi1>
      %mul3A_302 = arith.constant 4.000000e+00 : f32
      %mul3A_303 = arith.mulf %mul3A_302, %reduce_sum3A_257 : f32
      %sub3A_304 = arith.subf %reduce_sum3A_213, %mul3A_303 : f32
      %mul3A_305 = arith.mulf %sub3A_304, %convert_element_type3A_295 : f32
      %broadcast_in_dim3A_306 = vector.broadcast %mul3A_305 : f32 to vector<8x128xf32>
      %select_n3A_307 = arith.select %and3A_301, %broadcast_in_dim3A_306, %scan3A_161 : vector<8x128xi1>, vector<8x128xf32>
      %mul3A_308 = arith.constant 4.000000e+00 : f32
      %mul3A_309 = arith.mulf %mul3A_308, %reduce_sum3A_257 : f32
      %sub3A_310 = arith.subf %reduce_sum3A_224, %mul3A_309 : f32
      %mul3A_311 = arith.mulf %sub3A_310, %convert_element_type3A_295 : f32
      %broadcast_in_dim3A_312 = vector.broadcast %mul3A_311 : f32 to vector<8x128xf32>
      %select_n3A_313 = arith.select %and3A_301, %broadcast_in_dim3A_312, %scan3A_162 : vector<8x128xi1>, vector<8x128xf32>
      %mul3A_314 = arith.constant 4.000000e+00 : f32
      %mul3A_315 = arith.mulf %mul3A_314, %reduce_sum3A_257 : f32
      %sub3A_316 = arith.subf %reduce_sum3A_235, %mul3A_315 : f32
      %mul3A_317 = arith.mulf %sub3A_316, %convert_element_type3A_295 : f32
      %broadcast_in_dim3A_318 = vector.broadcast %mul3A_317 : f32 to vector<8x128xf32>
      %select_n3A_319 = arith.select %and3A_301, %broadcast_in_dim3A_318, %scan3A_163 : vector<8x128xi1>, vector<8x128xf32>
      %mul3A_320 = arith.constant 4.000000e+00 : f32
      %mul3A_321 = arith.mulf %mul3A_320, %reduce_sum3A_257 : f32
      %sub3A_322 = arith.subf %reduce_sum3A_246, %mul3A_321 : f32
      %mul3A_323 = arith.mulf %sub3A_322, %convert_element_type3A_295 : f32
      %broadcast_in_dim3A_324 = vector.broadcast %mul3A_323 : f32 to vector<8x128xf32>
      %select_n3A_325 = arith.select %and3A_301, %broadcast_in_dim3A_324, %scan3A_164 : vector<8x128xi1>, vector<8x128xf32>
      %mul3A_326 = arith.mulf %reduce_sum3A_257, %convert_element_type3A_295 : f32
      %broadcast_in_dim3A_327 = vector.broadcast %mul3A_326 : f32 to vector<8x128xf32>
      %select_n3A_328 = arith.select %and3A_301, %broadcast_in_dim3A_327, %scan3A_165 : vector<8x128xi1>, vector<8x128xf32>
      %mul3A_329 = arith.mulf %reduce_max3A_170, %convert_element_type3A_295 : f32
      %broadcast_in_dim3A_330 = vector.broadcast %mul3A_329 : f32 to vector<8x128xf32>
      %select_n3A_331 = arith.select %and3A_301, %broadcast_in_dim3A_330, %scan3A_166 : vector<8x128xi1>, vector<8x128xf32>
      scf.yield %select_n3A_292, %select_n3A_307, %select_n3A_313, %select_n3A_319, %select_n3A_325, %select_n3A_328, %select_n3A_331 : vector<160x128xf32>, vector<8x128xf32>, vector<8x128xf32>, vector<8x128xf32>, vector<8x128xf32>, vector<8x128xf32>, vector<8x128xf32>
    }
    %scan3A_140 = arith.constant 100 : i32
    %swap3A_141 = arith.constant 0 : index
    %swap3A_142 = arith.constant 0 : index
    %swap3A_143 = vector.load %arg11[%swap3A_141, %swap3A_142] : memref<8x128xf32, #tpu.memory_space<vmem>>, vector<8x128xf32>
    tpu.vector_store %arg11[%swap3A_141, %swap3A_142], %scan3A_139#1 {strides = array<i32>} : memref<8x128xf32, #tpu.memory_space<vmem>>, vector<8x128xf32>,
    %swap3A_144 = arith.constant 0 : index
    %swap3A_145 = arith.constant 0 : index
    %swap3A_146 = vector.load %arg12[%swap3A_144, %swap3A_145] : memref<8x128xf32, #tpu.memory_space<vmem>>, vector<8x128xf32>
    tpu.vector_store %arg12[%swap3A_144, %swap3A_145], %scan3A_139#2 {strides = array<i32>} : memref<8x128xf32, #tpu.memory_space<vmem>>, vector<8x128xf32>,
    %swap3A_147 = arith.constant 0 : index
    %swap3A_148 = arith.constant 0 : index
    %swap3A_149 = vector.load %arg13[%swap3A_147, %swap3A_148] : memref<8x128xf32, #tpu.memory_space<vmem>>, vector<8x128xf32>
    tpu.vector_store %arg13[%swap3A_147, %swap3A_148], %scan3A_139#3 {strides = array<i32>} : memref<8x128xf32, #tpu.memory_space<vmem>>, vector<8x128xf32>,
    %swap3A_150 = arith.constant 0 : index
    %swap3A_151 = arith.constant 0 : index
    %swap3A_152 = vector.load %arg14[%swap3A_150, %swap3A_151] : memref<8x128xf32, #tpu.memory_space<vmem>>, vector<8x128xf32>
    tpu.vector_store %arg14[%swap3A_150, %swap3A_151], %scan3A_139#4 {strides = array<i32>} : memref<8x128xf32, #tpu.memory_space<vmem>>, vector<8x128xf32>,
    %swap3A_153 = arith.constant 0 : index
    %swap3A_154 = arith.constant 0 : index
    %swap3A_155 = vector.load %arg15[%swap3A_153, %swap3A_154] : memref<8x128xf32, #tpu.memory_space<vmem>>, vector<8x128xf32>
    tpu.vector_store %arg15[%swap3A_153, %swap3A_154], %scan3A_139#5 {strides = array<i32>} : memref<8x128xf32, #tpu.memory_space<vmem>>, vector<8x128xf32>,
    %swap3A_156 = arith.constant 0 : index
    %swap3A_157 = arith.constant 0 : index
    %swap3A_158 = vector.load %arg16[%swap3A_156, %swap3A_157] : memref<8x128xf32, #tpu.memory_space<vmem>>, vector<8x128xf32>
    tpu.vector_store %arg16[%swap3A_156, %swap3A_157], %scan3A_139#6 {strides = array<i32>} : memref<8x128xf32, #tpu.memory_space<vmem>>, vector<8x128xf32>,
    return
  }
}

</mosaic_0001>

<sc_bundles>
// kernel: kernel.6.cloned.1.call-start
scs
__scs_entry_jumppad:
0x0: {  	(pc) =	sbr.rel $0x88, $3  }
0x1: {  	(tag) =	ssettag $0x0;
	lr =	simm.s32 $0x1  }
0x2: {  	[smem:$0x3F9D] =	sst lr;
	_ =	strace $0xD0000000  }
0x3: {  	_ = 	snop  }
0x4: {  	_ = 	snop  }
0x5: {  	_ = 	snop  }
0x6: {  	_ = 	snop  }
0x7: {  	_ = 	snop  }
__scs_overlays_trampoline_lowered:
0x8: {  	[smem:$0x3FAC] =	sst s0  }
0x9: {  	[smem:$0x3FAD] =	sst s1  }
0xa: {  	[smem:$0x3FAE] =	sst s2  }
0xb: {  	[smem:$0x3FAF] =	sst s3  }
0xc: {  	[smem:$0x3FB0] =	sst s4  }
0xd: {  	[smem:$0x3FB1] =	sst s5  }
0xe: {  	[smem:$0x3FB2] =	sst s6  }
0xf: {  	[smem:$0x3FB3] =	sst s7  }
0x10: {  	[smem:$0x3FB4] =	sst s8  }
0x11: {  	[smem:$0x3FB5] =	sst s9;
	s0 =	simm.s32 @!p0 $0x0  }
0x12: {  	s1 =	sld [smem:$0x3F9B];
	s0 =	simm.s32 @p0 $0x1  }
0x13: {  	[smem:$0x3FB6] =	sst s0;
	s0 =	simm.s32 @!p1 $0x0  }
0x14: {  	s2 =	sld [smem:$0x3F9A];
	s0 =	simm.s32 @p1 $0x1  }
0x15: {  	[smem:$0x3FB7] =	sst s0;
	s0 =	simm.s32 @!p2 $0x0  }
0x16: {  	s3 =	sld [smem:$0x3FDB];
	s0 =	simm.s32 @p2 $0x1  }
0x17: {  	s4 =	simm.s32 $0x1BF5;
	[smem:$0x3FB9] =	sst s0  }
0x18: {  	s0 =	sld [smem:$0x3F9C];
	_ =	swait.ge [sflag:s4], $0x0  }
0x19: {  	s7 =	sld [smem:$0x3F9D]  }
0x1a: {  	s8 =	sadd.s32 $0xFFFFE003, lr  }
0x1b: {  	s9 =	sadd.s32 $0xFFFFFEF7, lr;
	s5 =	simm.s32 $0xFFFFFFFF;
	p2 =	slt.u32 s8, $0xFFFFF086  }
0x1c: {  	p1 =	slt.u32 s9, $0xF7A;
	s5 =	simm.s32 @!p2 $0x0  }
0x1d: {  	s5 =	simm.s32 @p1 $0x1;
	p0 =	seq.s32 s7, s2  }
0x1e: {  	s7 =	smul.u32 @!p0 $0xF7A, s2;
	p2 =	seq.s32 @!p0 s5, $0x0  }
0x1f: {  	s9 =	smul.u32 $0xF7A, s1;
	s8 =	simm.s32 @!p0 $0x1BF5;
	p2 =	por !p2, p0  }
0x20: {  	[sflag:s8] =	ssyncset.s32 @!p0 $0xFFFFF086;
	s6 =	sadd.s32 @!p0 s3, s7;
	s7 =	simm.s32 @!p0 $0x108  }
0x21: {  	s3 =	sadd.s32 s3, s9;
	s6 =	sadd.s32 @!p0 $0x88, s6;
	s7 =	simm.s32 @p2 $0x1082  }
0x22: {  	[simem:s7], [sflag:s8] =	dma.local @!p0 [hbm:s6], $0xF7A  }
0x23: {  	s9 =	sor.u32 $0xD0000000, s2;
	s6 =	simm.s32 $0x108;
	_ =	swait.ge @!p0 [sflag:s8], $0x0  }
0x24: {  	s3 =	sadd.s32 $0x88, s3;
	s6 =	simm.s32 @!p1 $0x1082;
	[sflag:s4] =	ssyncset.s32 $0xFFFFF086  }
0x25: {  	[simem:s6], [sflag:s4] =	dma.local [hbm:s3], $0xF7A  }
0x26: {  	[smem:$0x3F9D] =	sst s1;
	(tag) =	ssettag s2;
	_ =	strace s9  }
0x27: {  	s1 =	sld [smem:$0x3FAD]  }
0x28: {  	s2 =	sld [smem:$0x3FAE]  }
0x29: {  	s4 =	sld [smem:$0x3FB0]  }
0x2a: {  	p0 =	seq.s32 s5, $0x0;
	s5 =	sld [smem:$0x3FB1]  }
0x2b: {  	s6 =	sld [smem:$0x3FB2]  }
0x2c: {  	s7 =	sld [smem:$0x3FB3]  }
0x2d: {  	s3 =	simm.s32 $0x108;
	s8 =	sld [smem:$0x3FB4]  }
0x2e: {  	s3 =	simm.s32 @!p0 $0x1082;
	s9 =	sld [smem:$0x3FB5]  }
0x2f: {  	lr =	sadd.s32 s0, s3;
	s0 =	sld [smem:$0x3FAC]  }
0x30: {  	s3 =	sld [smem:$0x3FAF]  }
0x31: {  	[smem:$0x3FB8] =	sst s10  }
0x32: {  	s10 =	sld [smem:$0x3FB6];
	_ =	sdelay $0x3  }
0x33: {  	p0 =	seq.s32 s10, $0x1;
	s10 =	sld [smem:$0x3FB8];
	_ =	sdelay $0x3  }
0x34: {  	[smem:$0x3FB8] =	sst s10  }
0x35: {  	s10 =	sld [smem:$0x3FB7];
	_ =	sdelay $0x3  }
0x36: {  	p1 =	seq.s32 s10, $0x1;
	s10 =	sld [smem:$0x3FB8];
	_ =	sdelay $0x3  }
0x37: {  	[smem:$0x3FB8] =	sst s10  }
0x38: {  	s10 =	sld [smem:$0x3FB9]  }
0x39: {  	_ = 	snop;
	(pc) =	sbr.ind lr, $3  }
0x3a: {  	_ = 	snop  }
0x3b: {  	_ = 	snop  }
0x3c: {  	p2 =	seq.s32 s10, $0x1;
	s10 =	sld [smem:$0x3FB8]  }
0x3d: {  	_ =	shalt  }
0x3e: {  	_ =	shalt  }
0x3f: {  	_ =	shalt  }
0x40: {  	_ =	shalt  }
0x41: {  	_ =	shalt  }
0x42: {  	_ =	shalt  }
0x43: {  	_ =	shalt  }
0x44: {  	_ =	shalt  }
0x45: {  	_ =	shalt  }
0x46: {  	_ =	shalt  }
0x47: {  	_ =	shalt  }
0x48: {  	_ =	shalt  }
0x49: {  	_ =	shalt  }
0x4a: {  	_ =	shalt  }
0x4b: {  	_ =	shalt  }
0x4c: {  	_ =	shalt  }
0x4d: {  	_ =	shalt  }
0x4e: {  	_ =	shalt  }
0x4f: {  	_ =	shalt  }
0x50: {  	_ =	shalt  }
0x51: {  	_ =	shalt  }
0x52: {  	_ =	shalt  }
0x53: {  	_ =	shalt  }
0x54: {  	_ =	shalt  }
0x55: {  	_ =	shalt  }
0x56: {  	_ =	shalt  }
0x57: {  	_ =	shalt  }
0x58: {  	_ =	shalt  }
0x59: {  	_ =	shalt  }
0x5a: {  	_ =	shalt  }
0x5b: {  	_ =	shalt  }
0x5c: {  	_ =	shalt  }
0x5d: {  	_ =	shalt  }
0x5e: {  	_ =	shalt  }
0x5f: {  	_ =	shalt  }
0x60: {  	_ =	shalt  }
0x61: {  	_ =	shalt  }
0x62: {  	_ =	shalt  }
0x63: {  	_ =	shalt  }
0x64: {  	_ =	shalt  }
0x65: {  	_ =	shalt  }
0x66: {  	_ =	shalt  }
0x67: {  	_ =	shalt  }
0x68: {  	_ =	shalt  }
0x69: {  	_ =	shalt  }
0x6a: {  	_ =	shalt  }
0x6b: {  	_ =	shalt  }
0x6c: {  	_ =	shalt  }
0x6d: {  	_ =	shalt  }
0x6e: {  	_ =	shalt  }
0x6f: {  	_ =	shalt  }
0x70: {  	_ =	shalt  }
0x71: {  	_ =	shalt  }
0x72: {  	_ =	shalt  }
0x73: {  	_ =	shalt  }
0x74: {  	_ =	shalt  }
0x75: {  	_ =	shalt  }
0x76: {  	_ =	shalt  }
0x77: {  	_ =	shalt  }
0x78: {  	_ =	shalt  }
0x79: {  	_ =	shalt  }
0x7a: {  	_ =	shalt  }
0x7b: {  	_ =	shalt  }
0x7c: {  	_ =	shalt  }
0x7d: {  	_ =	shalt  }
0x7e: {  	_ =	shalt  }
0x7f: {  	_ =	shalt  }
0x80: {  	_ =	shalt  }
0x81: {  	_ =	shalt  }
0x82: {  	_ =	shalt  }
0x83: {  	_ =	shalt  }
0x84: {  	_ =	shalt  }
0x85: {  	_ =	shalt  }
0x86: {  	_ =	shalt  }
0x87: {  	_ =	shalt  }
.Lfunc_end0:
.L_simem_size_0:
called_computation_lowered:
.L_overlay_start_0:
0x88: {  	s2 =	sld [smem:$0x3FD9]  }
0x89: {  	s3 =	sld [smem:$0x3FFE];
	_ =	sdelay $0x1  }
0x8a: {  	s1 =	srdreg.scid  }
0x8b: {  	s0 =	sand.u32 $0x1, s1  }
0x8c: {  	s16 =	sshll.u32 s0, $0xA;
	s2 =	sadd.s32 s3, s2  }
0x8d: {  	s2 =	sadd.s32 s2, s16  }
0x8e: {  	[smem:$0x3FC4] =	sst s2  }
0x8f: {  	_ = 	snop  }
0x90: {  	(tm) =	ssettm $0x1  }
0x91: {  	s17 =	sld [smem:$0x3FFB];
	_ =	sdelay $0x3  }
0x92: {  	_ =	strace s17  }
0x93: {  	s2 =	sld [smem:$0x3FFC];
	_ =	sdelay $0x3  }
0x94: {  	_ =	strace s2  }
0x95: {  	s2 =	sld [smem:$0x3FFD];
	_ =	sdelay $0x3  }
0x96: {  	_ =	strace s2  }
0x97: {  	_ =	strace $0x8FFFFFFF  }
0x98: {  	s18 =	sld [smem:$0x3FDB];
	_ =	sdelay $0x1  }
0x99: {  	s19 =	simm.s32 $_scs_section_size  }
0x9a: {  	s4 =	simm.s32 $_size__tile_overlayer_lowered;
	s5 =	simm.s32 $_tile_overlayer_lowered  }
0x9b: {  	s22 =	simm.s32 $0x1BFF;
	s21 =	sshll.u32 s5, $0x1;
	s2 =	sadd.s32 s19, s18  }
0x9c: {  	s6 =	simm.s32 $0x0;
	s20 =	sshll.u32 s4, $0x1;
	s4 =	sadd.s32 s21, s2  }
0x9d: {  	[timem:s6], [sflag:s22] =	dma.local [hbm:s4], s20  }
0x9e: {  	_ =	swait.ge [sflag:s22], s20  }
0x9f: {  	s3 =	ssub.s32 $0x0, s20;
	[sflag:s22] =	ssyncset.done $0x0  }
0xa0: {  	[sflag:s22] =	ssyncadd.s32 s3;
	_ =	sdelay $0x1  }
0xa1: {  	s23 =	simm.s32 $0x1B8B  }
0xa2: {  	_ =	swait.ge [sflag:s23], $0x1  }
0xa3: {  	[sflag:s23] =	ssyncset.done $0x0  }
0xa4: {  	s25 =	simm.s32 $0x1B8E;
	s24 =	sld [smem:$0x3FFE];
	[sflag:s23] =	ssyncadd.s32 $0xFFFFFFFF  }
0xa5: {  	s26 =	simm.s32 $execute0_lowered;
	[smem:$0x3FD2] =	sst s25  }
0xa6: {  	s4 =	sshll.u32 s26, $0x1;
	_ =	strace $0x80000046;
	[dreg:$0x1] =	wrdreg $0xFFFFFFFF  }
0xa7: {  	s28 =	simm.s32 $_size_execute0_lowered;
	s2 =	sadd.s32 s2, s4;
	[dreg:$0x0] =	wrdreg $0x0  }
0xa8: {  	s4 =	sshll.u32 s28, $0x1;
	[dreg:$0x2] =	wrdreg s2  }
0xa9: {  	[dreg:$0x3] =	wrdreg s4  }
0xaa: {  	[dreg:$0x4] =	wrdreg $0xC0  }
0xab: {  	_ =	task [dreg:s6], $0x5FFFF  }
0xac: {  	[dreg:$0x1] =	wrdreg $0xFFFFFFFF  }
0xad: {  	[dreg:$0x0] =	wrdreg $0x60  }
0xae: {  	[dreg:$0x2] =	wrdreg s24  }
0xaf: {  	[dreg:$0x3] =	wrdreg $0x9  }
0xb0: {  	_ =	task.clear_ibuf [dreg:s6], $0x4FFFF;
	_ =	strace $0x90000046  }
0xb1: {  	s29 =	simm.s32 $0x9;
	_ =	strace $0x80000048  }
0xb2: {  	_ =	swait.ge [sflag:s29], $0x1  }
0xb3: {  	[sflag:s29] =	ssyncadd.s32 $0xFFFFFFFF  }
0xb4: {  	_ =	strace $0x90000048  }
0xb5: {  	_ =	sfence  }
0xb6: {  	s30 =	sld [smem:$0x0];
	_ =	sdelay $0x2  }
0xb7: {  	s31 =	sshll.u32 s1, $0xD;
	s1 =	sshrl.u32 s1, $0x2  }
0xb8: {  	s3 =	sand.u32 $0x4000, s31;
	s1 =	sadd.s32 s1, s30  }
0xb9: {  	s0 =	sor.u32 s3, s0;
	s1 =	sshll.u32 s1, $0x11  }
0xba: {  	s0 =	sor.u32 s1, s0  }
0xbb: {  	s0 =	sadd.s32 $0x8F2B, s0  }
0xbc: {  	[sflag:s0] =	ssyncadd.remote.s32 $0x1  }
0xbd: {  	_ =	sfence.sel $0xFFFF  }
0xbe: {  	[dreg:$0x0] =	wrdreg $0xFFFFFFFF;
	(pc) =	sbr.abs _section_cstart, $3  }
0xbf: {  	[dreg:$0x1] =	wrdreg $0xFFFFFFFF  }
0xc0: {  	_ =	task.clear_ibuf [dreg:s6], $0x2FFFF;
	_ =	strace $0x9FFFFFFF  }
0xc1: {  	(tm) =	ssettm $0x7FFFFFFF  }
tec
execute0_lowered:
.L_overlay_start_1:
0x0: {  	(tag) =	ssettag $0x1  }
0x1: {  	s1 =	srdreg.scid;
	s0 =	stileid.u32  }
0x2: {  	s16 =	sand.u32 $0x1, s1;
	s29 =	sshll.u32 s0, $0x1  }
0x3: {  	s17 =	rddreg [dreg:$0x0];
	s18 =	sor.u32 s16, s29  }
0x4: {  	s2 =	simm.s32 $0x0;
	s1 =	rddreg [dreg:$0x1];
	s3 =	sshll.u32 s18, $0x7  }
0x5: {  	[smem:$0x7FF] =	sst s2;
	s3 =	sadd.s32 s3, s17  }
0x6: {  	_ =	strace $0x80000047;
	s4 =	sadd.s32 $0x4E200, s3;
	s3 =	simm.s32 $0x2  }
0x7: {  	[tilespmem:s2], [sflag:$0x2] =	stream.linear.gather [hbm4b:s4+s2], $0x280, $0x38;
	[tilespmem:$0x14400] =	vst v63  }
0x8: {  	_ =	swait.ge [sflag:s3], $0x280  }
0x9: {  	s6 =	simm.s32 $0x80;
	[sflag:s3] =	ssyncset.done $0x0  }
0xa: {  	s7 =	simm.s32 $0x400;
	s5 =	sadd.s32 $0x1B29200, s17;
	[sflag:s3] =	ssyncadd.s32 $0xFFFFFD80  }
0xb: {  	[tilespmem:s7], [sflag:$0x1] =	stream.indirect.gather [hbm4b:s5+s6], $0x80, s2, s6, $0xb8;
	[tilespmem:$0x14400] =	vst v63  }
0xc: {  	s8 =	simm.s32 $0x4400  }
0xd: {  	[tilespmem:s8], [sflag:$0x1] =	stream.indirect.gather [hbm4b:s5+s6], $0x80, s6, s6, $0xb8;
	[tilespmem:$0x14400] =	vst v63  }
0xe: {  	s9 =	simm.s32 $0x100;
	s10 =	simm.s32 $0x8400  }
0xf: {  	[tilespmem:s10], [sflag:$0x1] =	stream.indirect.gather [hbm4b:s5+s6], $0x80, s9, s6, $0xb8;
	[tilespmem:$0x14400] =	vst v63  }
0x10: {  	s11 =	simm.s32 $0x180;
	s12 =	simm.s32 $0xC400  }
0x11: {  	[tilespmem:s12], [sflag:$0x1] =	stream.indirect.gather [hbm4b:s5+s6], $0x80, s11, s6, $0xb8;
	[tilespmem:$0x14400] =	vst v63  }
0x12: {  	s13 =	simm.s32 $0x200;
	s14 =	simm.s32 $0x10400;
	s15 =	simm.s32 $0x1  }
0x13: {  	[tilespmem:s14], [sflag:$0x1] =	stream.indirect.gather [hbm4b:s5+s6], $0x80, s13, s6, $0xb8;
	[tilespmem:$0x14400] =	vst v63  }
0x14: {  	_ =	swait.ge [sflag:s15], $0x4000  }
0x15: {  	[sflag:s15] =	ssyncset.done $0x0  }
0x16: {  	[sflag:s15] =	ssyncadd.s32 $0xFFFFC000  }
0x17: {  	_ =	swait.ge [sflag:s15], $0x4000  }
0x18: {  	[sflag:s15] =	ssyncset.done $0x0  }
0x19: {  	[sflag:s15] =	ssyncadd.s32 $0xFFFFC000  }
0x1a: {  	_ =	swait.ge [sflag:s15], $0x4000  }
0x1b: {  	[sflag:s15] =	ssyncset.done $0x0  }
0x1c: {  	s16 =	ssub.s32 $0x2, s16;
	[sflag:s15] =	ssyncadd.s32 $0xFFFFC000  }
0x1d: {  	s19 =	sshrl.u32 s16, $0x1;
	_ =	swait.ge [sflag:s15], $0x4000  }
0x1e: {  	s30 =	ssub.s32 s16, s19;
	[sflag:s15] =	ssyncset.done $0x0  }
0x1f: {  	s18 =	smul.u32 $0x2800, s18;
	s31 =	smax.u32 s30, $0x1;
	[sflag:s15] =	ssyncadd.s32 $0xFFFFC000  }
0x20: {  	p0 =	sne.s32 s31, $0x1;
	_ =	swait.ge [sflag:s15], $0x4000  }
.Ltmp0:
0x21: {  	s17 =	sadd.s32 s18, s17;
	[sflag:s15] =	ssyncset.done $0x0;
	(pc) =	sbr.rel @!p0 .LBB2_2-.Ltmp0, $4  }
0x22: {  	s16 =	sadd.s32 $0x4F200, s17;
	[sflag:s15] =	ssyncadd.s32 $0xFFFFC000  }
0x23: {  	[hbm4b:s16+s2] =	stream.linear.scatter [tilespmem:s7], [sflag:$0x2], $0x14000, $0x38;
	[tilespmem:$0x14400] =	vst v63  }
0x24: {  	_ =	swait.ge [sflag:s3], $0x14000  }
0x25: {  	s17 =	sadd.s32 $0xFFFFFFFF, s31;
	[sflag:s3] =	ssyncset.done $0x0  }
.LBB2_1:
0x26: {  	p0 =	sne.s32 s17, $0x1;
	s17 =	sadd.s32 $0xFFFFFFFF, s17;
	[sflag:s3] =	ssyncadd.s32 $0xFFFEC000  }
0x27: {  	[tilespmem:s2], [sflag:$0x2] =	stream.linear.gather [hbm4b:s4+s2], $0x280, $0x38;
	[tilespmem:$0x14400] =	vst v63  }
0x28: {  	_ =	swait.ge [sflag:s3], $0x280  }
0x29: {  	[sflag:s3] =	ssyncset.done $0x0  }
0x2a: {  	[sflag:s3] =	ssyncadd.s32 $0xFFFFFD80  }
0x2b: {  	[tilespmem:s7], [sflag:$0x1] =	stream.indirect.gather [hbm4b:s5+s6], $0x80, s2, s6, $0xb8;
	[tilespmem:$0x14400] =	vst v63  }
0x2c: {  	_ = 	snop  }
0x2d: {  	[tilespmem:s8], [sflag:$0x1] =	stream.indirect.gather [hbm4b:s5+s6], $0x80, s6, s6, $0xb8;
	[tilespmem:$0x14400] =	vst v63  }
0x2e: {  	_ = 	snop  }
0x2f: {  	[tilespmem:s10], [sflag:$0x1] =	stream.indirect.gather [hbm4b:s5+s6], $0x80, s9, s6, $0xb8;
	[tilespmem:$0x14400] =	vst v63  }
0x30: {  	_ = 	snop  }
0x31: {  	[tilespmem:s12], [sflag:$0x1] =	stream.indirect.gather [hbm4b:s5+s6], $0x80, s11, s6, $0xb8;
	[tilespmem:$0x14400] =	vst v63  }
0x32: {  	_ = 	snop  }
0x33: {  	[tilespmem:s14], [sflag:$0x1] =	stream.indirect.gather [hbm4b:s5+s6], $0x80, s13, s6, $0xb8;
	[tilespmem:$0x14400] =	vst v63  }
0x34: {  	_ =	swait.ge [sflag:s15], $0x4000  }
0x35: {  	[sflag:s15] =	ssyncset.done $0x0  }
0x36: {  	[sflag:s15] =	ssyncadd.s32 $0xFFFFC000  }
0x37: {  	_ =	swait.ge [sflag:s15], $0x4000  }
0x38: {  	[sflag:s15] =	ssyncset.done $0x0  }
0x39: {  	[sflag:s15] =	ssyncadd.s32 $0xFFFFC000  }
0x3a: {  	_ =	swait.ge [sflag:s15], $0x4000  }
0x3b: {  	[sflag:s15] =	ssyncset.done $0x0  }
0x3c: {  	[sflag:s15] =	ssyncadd.s32 $0xFFFFC000  }
0x3d: {  	_ =	swait.ge [sflag:s15], $0x4000  }
0x3e: {  	[sflag:s15] =	ssyncset.done $0x0  }
0x3f: {  	[sflag:s15] =	ssyncadd.s32 $0xFFFFC000  }
0x40: {  	_ =	swait.ge [sflag:s15], $0x4000  }
.Ltmp1:
0x41: {  	[sflag:s15] =	ssyncset.done $0x0;
	(pc) =	sbr.rel @p0 .LBB2_1-.Ltmp1, $4  }
0x42: {  	[sflag:s15] =	ssyncadd.s32 $0xFFFFC000  }
0x43: {  	[hbm4b:s16+s2] =	stream.linear.scatter [tilespmem:s7], [sflag:$0x2], $0x14000, $0x38;
	[tilespmem:$0x14400] =	vst v63  }
0x44: {  	_ =	swait.ge [sflag:s3], $0x14000  }
0x45: {  	[sflag:s3] =	ssyncset.done $0x0  }
.LBB2_2:
0x46: {  	[sflag:s3] =	ssyncadd.s32 $0xFFFEC000  }
0x47: {  	_ =	sfence.sel $0x180000  }
0x48: {  	[bflag:$0x0] =	sbarrier.arrive $0xFFFF  }
0x49: {  	p0 =	sne.s32 s0, $0x0;
	_ =	strace $0x90000047  }
0x4a: {  	s0 =	sadd.s32 @!p0 $0x100000, s1;
	[bflag:$0x2] =	sbarrier.arrive $0xFFFF  }
0x4b: {  	[sflag:s0] =	ssyncadd.tile.s32 @!p0 $0x1;
	_ =	shalt  }
.Lfunc_end2:
_tile_overlayer_lowered:
.L_overlay_start_2:
0x4c: {  	(tag) =	ssettag $0x2  }
0x4d: {  	s0 =	rddreg [dreg:$0x0];
	s2 =	stileid.u32  }
0x4e: {  	s1 =	rddreg [dreg:$0x1];
	p0 =	sne.s32 s2, $0x0  }
0x4f: {  	s3 =	rddreg [dreg:$0x2];
	[bflag:$0x3] =	sbarrier.arrive $0xFFFF;
	s2 =	simm.s32 @!p0 $0x1C02  }
0x50: {  	[timem:s3], [sflag:s2] =	dma.local @!p0 [hbm:s0], s1  }
0x51: {  	s0 =	simm.s32 @!p0 $0x2  }
0x52: {  	_ =	swait.ge @!p0 [sflag:s0], s1  }
0x53: {  	s1 =	ssub.s32 @!p0 $0x0, s1;
	[sflag:s0] =	ssyncset.done @!p0 $0x0  }
0x54: {  	[sflag:s0] =	ssyncadd.s32 @!p0 s1  }
0x55: {  	[bflag:$0x3] =	sbarrier.arrive $0xFFFF  }
0x56: {  	_ =	shalt  }

</sc_bundles>
